<compile_context>
chip_gen: v7x
topology: tpu7x:2x2x1
jax: 0.10.2.dev20260603
libtpu: 0.0.44.dev20260713+nightly
codegen_flags: <defaults>
</compile_context>

<pallas_src>
import jax
import jax.numpy as jnp
from jax import lax
from jax.experimental import pallas as pl
from jax.experimental.pallas import tpu as pltpu
from jax.experimental.pallas import tpu_sc as plsc

BATCH = 4
SEQ = 4096
EMB = 1024
NUM_TOK = BATCH * SEQ

_info = plsc.get_sparse_core_info()
NC, NS = _info.num_cores, _info.num_subcores
NW = NC * NS
W_PER_B = NW // BATCH

PER_W = NUM_TOK // NW
CHUNK = 32
NCHUNK = PER_W // CHUNK
NBUF = 3
DEPTH = 2


def _body(pe_hbm, tok_hbm, out_hbm, idx_v, buf, gsem, ssem):
    wid = lax.axis_index("s") * NC + lax.axis_index("c")
    b = wid // W_PER_B
    l_base = (wid % W_PER_B) * PER_W

    PRE = 128
    pltpu.sync_copy(tok_hbm.at[b, pl.ds(l_base, PRE)], idx_v.at[pl.ds(0, PRE)])

    def _gather_desc(t, r):
        off = pl.multiple_of(t * CHUNK, 8)
        return pltpu.make_async_copy(
            pe_hbm.at[idx_v.at[pl.ds(off, CHUNK)]], buf.at[r], gsem.at[r]
        )

    def _store_desc(t, r):
        return pltpu.make_async_copy(
            buf.at[r], out_hbm.at[b, pl.ds(l_base + t * CHUNK, CHUNK)], ssem.at[r]
        )

    def start_gather(t, r):
        _gather_desc(t, r).start()

    def start_store(t, r):
        _store_desc(t, r).start()

    for t in range(DEPTH):
        start_gather(t, t % NBUF)
    pltpu.sync_copy(
        tok_hbm.at[b, pl.ds(l_base + PRE, PER_W - PRE)],
        idx_v.at[pl.ds(PRE, PER_W - PRE)],
    )

    @pl.loop(0, NCHUNK)
    def _step(t):
        tf = t + DEPTH
        rf = lax.rem(tf, NBUF)

        @pl.when(tf < NCHUNK)
        def _():
            @pl.when(tf >= NBUF)
            def _():
                _store_desc(0, rf).wait()

            start_gather(tf, rf)

        r = lax.rem(t, NBUF)
        _gather_desc(0, r).wait()
        start_store(t, r)

    for t in range(NCHUNK - NBUF, NCHUNK):
        _store_desc(0, t % NBUF).wait()


@jax.jit
def kernel(tok, pe):
    return pl.kernel(
        _body,
        out_type=jax.ShapeDtypeStruct((BATCH, SEQ, EMB), jnp.float32),
        mesh=plsc.VectorSubcoreMesh(core_axis_name="c", subcore_axis_name="s"),
        scratch_types=[
            pltpu.VMEM((PER_W,), jnp.int32),
            pltpu.VMEM((NBUF, CHUNK, EMB), jnp.float32),
            pltpu.SemaphoreType.DMA((NBUF,)),
            pltpu.SemaphoreType.DMA((NBUF,)),
        ],
    )(pe, tok.astype(jnp.int32))

# --- scband reference (transcript-rebuilt; emitter-appended) ---
"""Pipeline reference for scband-positional-encoding-54322746360575 (READ-ONLY COPY).

The authoritative reference and input builder live on the scoring server;
editing this copy changes nothing except your own understanding.
"""

import jax, jax.numpy as jnp
import numpy as np

EMB_SIZE = 1024
MAX_LEN = 8192
BATCH = 4
SEQ = 4096

def make_pe(embSize, maxLen):
    denominator = np.exp(np.arange(0, embSize, 2).astype(np.float64) * np.log(10000.0) / embSize)
    pos = np.arange(0, maxLen).reshape(maxLen, 1).astype(np.float64)
    pe = np.zeros((maxLen, embSize), dtype=np.float32)
    pe[:, 0::2] = np.sin(pos / denominator).astype(np.float32)
    pe[:, 1::2] = np.cos(pos / denominator).astype(np.float32)
    return jnp.asarray(pe)

def setup_inputs(seed: int = 0) -> dict:
    key = jax.random.key(seed)
    tok = jax.random.randint(key, (BATCH, SEQ), 0, MAX_LEN)
    pe = make_pe(EMB_SIZE, MAX_LEN)
    return {"tok": tok, "pe": pe}

def reference(tok, pe):
    # Original torch code repeats pe over batch then does
    # peTen[arange(B)[:,None], tok], which is exactly a row-gather of pe
    # by tok for every batch element.
    batchSize = tok.shape[0]
    out = jnp.take(pe, tok, axis=0)  # [B, L, embSize]
    return out

if __name__ == "__main__":
    import jax
    _d = setup_inputs()
    print(jax.jit(kernel)(*tuple(_d.values())))

</pallas_src>

<mosaic_0001>
#map = affine_map<(d0, d1) -> (0, 0)>
#map1 = affine_map<(d0, d1) -> (0, 0, 0)>
module attributes {stable_mosaic.version = 14 : i64} {
  func.func @_body(%arg0: i32, %arg1: i32, %arg2: memref<8192x1024xf32, #tpu.memory_space<hbm>>, %arg3: memref<4x4096xi32, #tpu.memory_space<hbm>>, %arg4: memref<4x4096x1024xf32, #tpu.memory_space<hbm>>, %arg5: memref<512xi32, #tpu.memory_space<vmem>>, %arg6: memref<3x32x1024xf32, #tpu.memory_space<vmem>>, %arg7: memref<3x!tpu.dma_semaphore, #tpu.memory_space<semaphore_mem>>, %arg8: memref<3x!tpu.dma_semaphore, #tpu.memory_space<semaphore_mem>>) attributes {dimension_semantics = [#tpu.dimension_semantics<core_parallel>, #tpu.dimension_semantics<subcore_parallel>], iteration_bounds = array<i64: 2, 16>, scalar_prefetch = 0 : i64, scratch_operands = 4 : i64, tpu.core_type = #tpu.core_type<sc_vector_subcore>, window_params = [{transform_indices = #map}, {transform_indices = #map}, {transform_indices = #map1}]} {
    %mul3A = arith.constant 2 : i32
    %mul3A_0 = arith.muli %arg1, %mul3A : i32
    %add3A = arith.addi %mul3A_0, %arg0 : i32
    %jit3A = arith.constant 8 : i32
    %div3A = arith.divsi %add3A, %jit3A : i32
    %sign3A = arith.constant 0 : i32
    %sign3A_1 = arith.cmpi sgt, %add3A, %sign3A : i32
    %sign3A_2 = arith.extui %sign3A_1 : i1 to i32
    %sign3A_3 = arith.constant 0 : i32
    %sign3A_4 = arith.cmpi slt, %add3A, %sign3A_3 : i32
    %sign3A_5 = arith.extui %sign3A_4 : i1 to i32
    %sign3A_6 = arith.subi %sign3A_2, %sign3A_5 : i32
    %sign3A_7 = arith.constant 0 : i32
    %sign3A_8 = arith.cmpi sgt, %jit3A, %sign3A_7 : i32
    %sign3A_9 = arith.extui %sign3A_8 : i1 to i32
    %sign3A_10 = arith.constant 0 : i32
    %sign3A_11 = arith.cmpi slt, %jit3A, %sign3A_10 : i32
    %sign3A_12 = arith.extui %sign3A_11 : i1 to i32
    %sign3A_13 = arith.subi %sign3A_9, %sign3A_12 : i32
    %ne3A = arith.cmpi ne, %sign3A_6, %sign3A_13 : i32
    %rem3A = arith.remsi %add3A, %jit3A : i32
    %ne3A_14 = arith.constant 0 : i32
    %ne3A_15 = arith.cmpi ne, %rem3A, %ne3A_14 : i32
    %and3A = arith.andi %ne3A, %ne3A_15 : i1
    %sub3A = arith.constant 1 : i32
    %sub3A_16 = arith.subi %div3A, %sub3A : i32
    %select_n3A = arith.select %and3A, %sub3A_16, %div3A : i32
    %jit3A_17 = arith.constant 8 : i32
    %eq3A = arith.constant 0 : i32
    %eq3A_18 = arith.cmpi eq, %jit3A_17, %eq3A : i32
    %jit3A_19 = arith.constant 1 : i32
    %select_n3A_20 = arith.select %eq3A_18, %jit3A_19, %jit3A_17 : i32
    %rem3A_21 = arith.remsi %add3A, %select_n3A_20 : i32
    %ne3A_22 = arith.constant 0 : i32
    %ne3A_23 = arith.cmpi ne, %rem3A_21, %ne3A_22 : i32
    %lt3A = arith.constant 0 : i32
    %lt3A_24 = arith.cmpi slt, %rem3A_21, %lt3A : i32
    %lt3A_25 = arith.constant 0 : i32
    %lt3A_26 = arith.cmpi slt, %select_n3A_20, %lt3A_25 : i32
    %ne3A_27 = arith.xori %lt3A_24, %lt3A_26 : i1
    %and3A_28 = arith.andi %ne3A_27, %ne3A_23 : i1
    %add3A_29 = arith.addi %rem3A_21, %select_n3A_20 : i32
    %select_n3A_30 = arith.select %and3A_28, %add3A_29, %rem3A_21 : i32
    %mul3A_31 = arith.constant 512 : i32
    %mul3A_32 = arith.muli %select_n3A_30, %mul3A_31 : i32
    "tpu.region"() ({
      %run_scoped3A = tpu.sem_alloc : memref<!tpu.dma_semaphore, #tpu.memory_space<semaphore_mem>>
      %dma_start3A_124 = arith.constant 0 : i32
      %dma_start3A_125 = tpu.memref_slice %arg5[%dma_start3A_124] : memref<512xi32, #tpu.memory_space<vmem>> -> memref<128xi32, #tpu.memory_space<vmem>>
      %dma_start3A_126 = tpu.memref_slice %arg3[%select_n3A, %mul3A_32] : memref<4x4096xi32, #tpu.memory_space<hbm>> -> memref<1x128xi32, #tpu.memory_space<hbm>>
      %dma_start3A_127 = tpu.memref_squeeze %dma_start3A_126 : memref<1x128xi32, #tpu.memory_space<hbm>> -> memref<128xi32, #tpu.memory_space<hbm>>
      %dma_start3A_128 = arith.constant 0 : i32
      %dma_start3A_129 = tpu.memref_slice %arg5[%dma_start3A_128] : memref<512xi32, #tpu.memory_space<vmem>> -> memref<128xi32, #tpu.memory_space<vmem>>
      %dma_start3A_130 = tpu.memref_slice %arg3[%select_n3A, %mul3A_32] : memref<4x4096xi32, #tpu.memory_space<hbm>> -> memref<1x128xi32, #tpu.memory_space<hbm>>
      %dma_start3A_131 = tpu.memref_squeeze %dma_start3A_130 : memref<1x128xi32, #tpu.memory_space<hbm>> -> memref<128xi32, #tpu.memory_space<hbm>>
      tpu.enqueue_dma source(%dma_start3A_131 : memref<128xi32, #tpu.memory_space<hbm>>) target(%dma_start3A_129 : memref<128xi32, #tpu.memory_space<vmem>>) target_semaphore(%run_scoped3A : memref<!tpu.dma_semaphore, #tpu.memory_space<semaphore_mem>>)
      %dma_wait3A_132 = arith.constant 0 : i32
      %dma_wait3A_133 = tpu.memref_slice %arg5[%dma_wait3A_132] : memref<512xi32, #tpu.memory_space<vmem>> -> memref<128xi32, #tpu.memory_space<vmem>>
      %dma_wait3A_134 = tpu.memref_slice %arg3[%select_n3A, %mul3A_32] : memref<4x4096xi32, #tpu.memory_space<hbm>> -> memref<1x128xi32, #tpu.memory_space<hbm>>
      %dma_wait3A_135 = tpu.memref_squeeze %dma_wait3A_134 : memref<1x128xi32, #tpu.memory_space<hbm>> -> memref<128xi32, #tpu.memory_space<hbm>>
      %dma_wait3A_136 = arith.constant 0 : i32
      %dma_wait3A_137 = tpu.memref_slice %arg5[%dma_wait3A_136] : memref<512xi32, #tpu.memory_space<vmem>> -> memref<128xi32, #tpu.memory_space<vmem>>
      %dma_wait3A_138 = tpu.memref_slice %arg3[%select_n3A, %mul3A_32] : memref<4x4096xi32, #tpu.memory_space<hbm>> -> memref<1x128xi32, #tpu.memory_space<hbm>>
      %dma_wait3A_139 = tpu.memref_squeeze %dma_wait3A_138 : memref<1x128xi32, #tpu.memory_space<hbm>> -> memref<128xi32, #tpu.memory_space<hbm>>
      tpu.wait_dma2 semaphore(%run_scoped3A : memref<!tpu.dma_semaphore, #tpu.memory_space<semaphore_mem>>) src(%dma_wait3A_139 : memref<128xi32, #tpu.memory_space<hbm>>) dst(%dma_wait3A_137 : memref<128xi32, #tpu.memory_space<vmem>>)
      tpu.yield
    }) : () -> ()
    %multiple_of3A = arith.constant 0 : i32
    %multiple_of3A_33 = tpu.assume_multiple %multiple_of3A, 8 : i32
    %dma_start3A = arith.constant 0 : i32
    %dma_start3A_34 = arith.constant 0 : i32
    %dma_start3A_35 = arith.constant 0 : i32
    %dma_start3A_36 = arith.constant 0 : i32
    %dma_start3A_37 = tpu.memref_slice %arg6[%dma_start3A, %dma_start3A_35, %dma_start3A_36] : memref<3x32x1024xf32, #tpu.memory_space<vmem>> -> memref<1x32x1024xf32, #tpu.memory_space<vmem>>
    %dma_start3A_38 = tpu.memref_squeeze %dma_start3A_37 : memref<1x32x1024xf32, #tpu.memory_space<vmem>> -> memref<32x1024xf32, #tpu.memory_space<vmem>>
    %dma_start3A_39 = tpu.memref_slice %arg5[%multiple_of3A_33] : memref<512xi32, #tpu.memory_space<vmem>> -> memref<32xi32, #tpu.memory_space<vmem>>
    %dma_start3A_40 = arith.constant 0 : i32
    %dma_start3A_41 = arith.constant 0 : i32
    %dma_start3A_42 = tpu.memref_slice %arg2[%dma_start3A_40, %dma_start3A_41] : memref<8192x1024xf32, #tpu.memory_space<hbm>> -> memref<8192x1024xf32, #tpu.memory_space<hbm>>
    %dma_start3A_43 = tpu.memref_slice %arg7[%dma_start3A_34] : memref<3x!tpu.dma_semaphore, #tpu.memory_space<semaphore_mem>> -> memref<1x!tpu.dma_semaphore, #tpu.memory_space<semaphore_mem>>
    %dma_start3A_44 = tpu.memref_squeeze %dma_start3A_43 : memref<1x!tpu.dma_semaphore, #tpu.memory_space<semaphore_mem>> -> memref<!tpu.dma_semaphore, #tpu.memory_space<semaphore_mem>>
    tpu.enqueue_indirect_dma source(%dma_start3A_42 : memref<8192x1024xf32, #tpu.memory_space<hbm>>) target(%dma_start3A_38 : memref<32x1024xf32, #tpu.memory_space<vmem>>) offsets(%dma_start3A_39 : memref<32xi32, #tpu.memory_space<vmem>>) semaphore(%dma_start3A_44 : memref<!tpu.dma_semaphore, #tpu.memory_space<semaphore_mem>>)
    %multiple_of3A_45 = arith.constant 32 : i32
    %multiple_of3A_46 = tpu.assume_multiple %multiple_of3A_45, 8 : i32
    %dma_start3A_47 = arith.constant 1 : i32
    %dma_start3A_48 = arith.constant 1 : i32
    %dma_start3A_49 = arith.constant 0 : i32
    %dma_start3A_50 = arith.constant 0 : i32
    %dma_start3A_51 = tpu.memref_slice %arg6[%dma_start3A_47, %dma_start3A_49, %dma_start3A_50] : memref<3x32x1024xf32, #tpu.memory_space<vmem>> -> memref<1x32x1024xf32, #tpu.memory_space<vmem>>
    %dma_start3A_52 = tpu.memref_squeeze %dma_start3A_51 : memref<1x32x1024xf32, #tpu.memory_space<vmem>> -> memref<32x1024xf32, #tpu.memory_space<vmem>>
    %dma_start3A_53 = tpu.memref_slice %arg5[%multiple_of3A_46] : memref<512xi32, #tpu.memory_space<vmem>> -> memref<32xi32, #tpu.memory_space<vmem>>
    %dma_start3A_54 = arith.constant 0 : i32
    %dma_start3A_55 = arith.constant 0 : i32
    %dma_start3A_56 = tpu.memref_slice %arg2[%dma_start3A_54, %dma_start3A_55] : memref<8192x1024xf32, #tpu.memory_space<hbm>> -> memref<8192x1024xf32, #tpu.memory_space<hbm>>
    %dma_start3A_57 = tpu.memref_slice %arg7[%dma_start3A_48] : memref<3x!tpu.dma_semaphore, #tpu.memory_space<semaphore_mem>> -> memref<1x!tpu.dma_semaphore, #tpu.memory_space<semaphore_mem>>
    %dma_start3A_58 = tpu.memref_squeeze %dma_start3A_57 : memref<1x!tpu.dma_semaphore, #tpu.memory_space<semaphore_mem>> -> memref<!tpu.dma_semaphore, #tpu.memory_space<semaphore_mem>>
    tpu.enqueue_indirect_dma source(%dma_start3A_56 : memref<8192x1024xf32, #tpu.memory_space<hbm>>) target(%dma_start3A_52 : memref<32x1024xf32, #tpu.memory_space<vmem>>) offsets(%dma_start3A_53 : memref<32xi32, #tpu.memory_space<vmem>>) semaphore(%dma_start3A_58 : memref<!tpu.dma_semaphore, #tpu.memory_space<semaphore_mem>>)
    %add3A_59 = arith.constant 128 : i32
    %add3A_60 = arith.addi %mul3A_32, %add3A_59 : i32
    "tpu.region"() ({
      %run_scoped3A = tpu.sem_alloc : memref<!tpu.dma_semaphore, #tpu.memory_space<semaphore_mem>>
      %dma_start3A_124 = arith.constant 128 : i32
      %dma_start3A_125 = tpu.memref_slice %arg5[%dma_start3A_124] : memref<512xi32, #tpu.memory_space<vmem>> -> memref<384xi32, #tpu.memory_space<vmem>>
      %dma_start3A_126 = tpu.memref_slice %arg3[%select_n3A, %add3A_60] : memref<4x4096xi32, #tpu.memory_space<hbm>> -> memref<1x384xi32, #tpu.memory_space<hbm>>
      %dma_start3A_127 = tpu.memref_squeeze %dma_start3A_126 : memref<1x384xi32, #tpu.memory_space<hbm>> -> memref<384xi32, #tpu.memory_space<hbm>>
      %dma_start3A_128 = arith.constant 128 : i32
      %dma_start3A_129 = tpu.memref_slice %arg5[%dma_start3A_128] : memref<512xi32, #tpu.memory_space<vmem>> -> memref<384xi32, #tpu.memory_space<vmem>>
      %dma_start3A_130 = tpu.memref_slice %arg3[%select_n3A, %add3A_60] : memref<4x4096xi32, #tpu.memory_space<hbm>> -> memref<1x384xi32, #tpu.memory_space<hbm>>
      %dma_start3A_131 = tpu.memref_squeeze %dma_start3A_130 : memref<1x384xi32, #tpu.memory_space<hbm>> -> memref<384xi32, #tpu.memory_space<hbm>>
      tpu.enqueue_dma source(%dma_start3A_131 : memref<384xi32, #tpu.memory_space<hbm>>) target(%dma_start3A_129 : memref<384xi32, #tpu.memory_space<vmem>>) target_semaphore(%run_scoped3A : memref<!tpu.dma_semaphore, #tpu.memory_space<semaphore_mem>>)
      %dma_wait3A_132 = arith.constant 128 : i32
      %dma_wait3A_133 = tpu.memref_slice %arg5[%dma_wait3A_132] : memref<512xi32, #tpu.memory_space<vmem>> -> memref<384xi32, #tpu.memory_space<vmem>>
      %dma_wait3A_134 = tpu.memref_slice %arg3[%select_n3A, %add3A_60] : memref<4x4096xi32, #tpu.memory_space<hbm>> -> memref<1x384xi32, #tpu.memory_space<hbm>>
      %dma_wait3A_135 = tpu.memref_squeeze %dma_wait3A_134 : memref<1x384xi32, #tpu.memory_space<hbm>> -> memref<384xi32, #tpu.memory_space<hbm>>
      %dma_wait3A_136 = arith.constant 128 : i32
      %dma_wait3A_137 = tpu.memref_slice %arg5[%dma_wait3A_136] : memref<512xi32, #tpu.memory_space<vmem>> -> memref<384xi32, #tpu.memory_space<vmem>>
      %dma_wait3A_138 = tpu.memref_slice %arg3[%select_n3A, %add3A_60] : memref<4x4096xi32, #tpu.memory_space<hbm>> -> memref<1x384xi32, #tpu.memory_space<hbm>>
      %dma_wait3A_139 = tpu.memref_squeeze %dma_wait3A_138 : memref<1x384xi32, #tpu.memory_space<hbm>> -> memref<384xi32, #tpu.memory_space<hbm>>
      tpu.wait_dma2 semaphore(%run_scoped3A : memref<!tpu.dma_semaphore, #tpu.memory_space<semaphore_mem>>) src(%dma_wait3A_139 : memref<384xi32, #tpu.memory_space<hbm>>) dst(%dma_wait3A_137 : memref<384xi32, #tpu.memory_space<vmem>>)
      tpu.yield
    }) : () -> ()
    %scan3A = arith.constant 0 : i32
    %scan3A_61 = arith.constant 16 : i32
    %scan3A_62 = arith.addi %scan3A, %scan3A_61 : i32
    %scan3A_63 = arith.constant 1 : i32
    scf.for %scan3A_124 = %scan3A to %scan3A_62 step %scan3A_63  : i32 {
      %mul3A_125 = arith.constant 1 : i32
      %mul3A_126 = arith.muli %scan3A_124, %mul3A_125 : i32
      %add3A_127 = arith.constant 0 : i32
      %add3A_128 = arith.addi %add3A_127, %mul3A_126 : i32
      %add3A_129 = arith.constant 2 : i32
      %add3A_130 = arith.addi %add3A_128, %add3A_129 : i32
      %rem3A_131 = arith.constant 3 : i32
      %rem3A_132 = arith.remsi %add3A_130, %rem3A_131 : i32
      %lt3A_133 = arith.constant 16 : i32
      %lt3A_134 = arith.cmpi slt, %add3A_130, %lt3A_133 : i32
      %convert_element_type3A = arith.extui %lt3A_134 : i1 to i32
      %cond3A = arith.constant 0 : i32
      %cond3A_135 = arith.cmpi ne, %convert_element_type3A, %cond3A : i32
      scf.if %cond3A_135 {
        %ge3A = arith.constant 3 : i32
        %ge3A_169 = arith.cmpi sge, %add3A_130, %ge3A : i32
        %convert_element_type3A_170 = arith.extui %ge3A_169 : i1 to i32
        %cond3A_171 = arith.constant 0 : i32
        %cond3A_172 = arith.cmpi ne, %convert_element_type3A_170, %cond3A_171 : i32
        scf.if %cond3A_172 {
          %add3A_186 = arith.constant 0 : i32
          %add3A_187 = arith.addi %mul3A_32, %add3A_186 : i32
          %dma_wait3A_188 = arith.constant 0 : i32
          %dma_wait3A_189 = arith.constant 0 : i32
          %dma_wait3A_190 = tpu.memref_slice %arg6[%rem3A_132, %dma_wait3A_188, %dma_wait3A_189] : memref<3x32x1024xf32, #tpu.memory_space<vmem>> -> memref<1x32x1024xf32, #tpu.memory_space<vmem>>
          %dma_wait3A_191 = tpu.memref_squeeze %dma_wait3A_190 : memref<1x32x1024xf32, #tpu.memory_space<vmem>> -> memref<32x1024xf32, #tpu.memory_space<vmem>>
          %dma_wait3A_192 = arith.constant 0 : i32
          %dma_wait3A_193 = tpu.memref_slice %arg4[%select_n3A, %add3A_187, %dma_wait3A_192] : memref<4x4096x1024xf32, #tpu.memory_space<hbm>> -> memref<1x32x1024xf32, #tpu.memory_space<hbm>>
          %dma_wait3A_194 = tpu.memref_squeeze %dma_wait3A_193 : memref<1x32x1024xf32, #tpu.memory_space<hbm>> -> memref<32x1024xf32, #tpu.memory_space<hbm>>
          %dma_wait3A_195 = tpu.memref_slice %arg8[%rem3A_132] : memref<3x!tpu.dma_semaphore, #tpu.memory_space<semaphore_mem>> -> memref<1x!tpu.dma_semaphore, #tpu.memory_space<semaphore_mem>>
          %dma_wait3A_196 = tpu.memref_squeeze %dma_wait3A_195 : memref<1x!tpu.dma_semaphore, #tpu.memory_space<semaphore_mem>> -> memref<!tpu.dma_semaphore, #tpu.memory_space<semaphore_mem>>
          %dma_wait3A_197 = arith.constant 0 : i32
          %dma_wait3A_198 = tpu.memref_slice %arg4[%select_n3A, %add3A_187, %dma_wait3A_197] : memref<4x4096x1024xf32, #tpu.memory_space<hbm>> -> memref<1x32x1024xf32, #tpu.memory_space<hbm>>
          %dma_wait3A_199 = tpu.memref_squeeze %dma_wait3A_198 : memref<1x32x1024xf32, #tpu.memory_space<hbm>> -> memref<32x1024xf32, #tpu.memory_space<hbm>>
          %dma_wait3A_200 = arith.constant 0 : i32
          %dma_wait3A_201 = arith.constant 0 : i32
          %dma_wait3A_202 = tpu.memref_slice %arg6[%rem3A_132, %dma_wait3A_200, %dma_wait3A_201] : memref<3x32x1024xf32, #tpu.memory_space<vmem>> -> memref<1x32x1024xf32, #tpu.memory_space<vmem>>
          %dma_wait3A_203 = tpu.memref_squeeze %dma_wait3A_202 : memref<1x32x1024xf32, #tpu.memory_space<vmem>> -> memref<32x1024xf32, #tpu.memory_space<vmem>>
          tpu.wait_dma2 semaphore(%dma_wait3A_196 : memref<!tpu.dma_semaphore, #tpu.memory_space<semaphore_mem>>) src(%dma_wait3A_203 : memref<32x1024xf32, #tpu.memory_space<vmem>>) dst(%dma_wait3A_199 : memref<32x1024xf32, #tpu.memory_space<hbm>>)
        } else {
        }
        %mul3A_173 = arith.constant 32 : i32
        %mul3A_174 = arith.muli %add3A_130, %mul3A_173 : i32
        %multiple_of3A_175 = tpu.assume_multiple %mul3A_174, 8 : i32
        %dma_start3A_176 = arith.constant 0 : i32
        %dma_start3A_177 = arith.constant 0 : i32
        %dma_start3A_178 = tpu.memref_slice %arg6[%rem3A_132, %dma_start3A_176, %dma_start3A_177] : memref<3x32x1024xf32, #tpu.memory_space<vmem>> -> memref<1x32x1024xf32, #tpu.memory_space<vmem>>
        %dma_start3A_179 = tpu.memref_squeeze %dma_start3A_178 : memref<1x32x1024xf32, #tpu.memory_space<vmem>> -> memref<32x1024xf32, #tpu.memory_space<vmem>>
        %dma_start3A_180 = tpu.memref_slice %arg5[%multiple_of3A_175] : memref<512xi32, #tpu.memory_space<vmem>> -> memref<32xi32, #tpu.memory_space<vmem>>
        %dma_start3A_181 = arith.constant 0 : i32
        %dma_start3A_182 = arith.constant 0 : i32
        %dma_start3A_183 = tpu.memref_slice %arg2[%dma_start3A_181, %dma_start3A_182] : memref<8192x1024xf32, #tpu.memory_space<hbm>> -> memref<8192x1024xf32, #tpu.memory_space<hbm>>
        %dma_start3A_184 = tpu.memref_slice %arg7[%rem3A_132] : memref<3x!tpu.dma_semaphore, #tpu.memory_space<semaphore_mem>> -> memref<1x!tpu.dma_semaphore, #tpu.memory_space<semaphore_mem>>
        %dma_start3A_185 = tpu.memref_squeeze %dma_start3A_184 : memref<1x!tpu.dma_semaphore, #tpu.memory_space<semaphore_mem>> -> memref<!tpu.dma_semaphore, #tpu.memory_space<semaphore_mem>>
        tpu.enqueue_indirect_dma source(%dma_start3A_183 : memref<8192x1024xf32, #tpu.memory_space<hbm>>) target(%dma_start3A_179 : memref<32x1024xf32, #tpu.memory_space<vmem>>) offsets(%dma_start3A_180 : memref<32xi32, #tpu.memory_space<vmem>>) semaphore(%dma_start3A_185 : memref<!tpu.dma_semaphore, #tpu.memory_space<semaphore_mem>>)
      } else {
      }
      %rem3A_136 = arith.constant 3 : i32
      %rem3A_137 = arith.remsi %add3A_128, %rem3A_136 : i32
      %multiple_of3A_138 = arith.constant 0 : i32
      %multiple_of3A_139 = tpu.assume_multiple %multiple_of3A_138, 8 : i32
      %dma_wait3A_140 = arith.constant 0 : i32
      %dma_wait3A_141 = arith.constant 0 : i32
      %dma_wait3A_142 = tpu.memref_slice %arg6[%rem3A_137, %dma_wait3A_140, %dma_wait3A_141] : memref<3x32x1024xf32, #tpu.memory_space<vmem>> -> memref<1x32x1024xf32, #tpu.memory_space<vmem>>
      %dma_wait3A_143 = tpu.memref_squeeze %dma_wait3A_142 : memref<1x32x1024xf32, #tpu.memory_space<vmem>> -> memref<32x1024xf32, #tpu.memory_space<vmem>>
      %dma_wait3A_144 = tpu.memref_slice %arg5[%multiple_of3A_139] : memref<512xi32, #tpu.memory_space<vmem>> -> memref<32xi32, #tpu.memory_space<vmem>>
      %dma_wait3A_145 = arith.constant 0 : i32
      %dma_wait3A_146 = arith.constant 0 : i32
      %dma_wait3A_147 = tpu.memref_slice %arg2[%dma_wait3A_145, %dma_wait3A_146] : memref<8192x1024xf32, #tpu.memory_space<hbm>> -> memref<8192x1024xf32, #tpu.memory_space<hbm>>
      %dma_wait3A_148 = tpu.memref_slice %arg7[%rem3A_137] : memref<3x!tpu.dma_semaphore, #tpu.memory_space<semaphore_mem>> -> memref<1x!tpu.dma_semaphore, #tpu.memory_space<semaphore_mem>>
      %dma_wait3A_149 = tpu.memref_squeeze %dma_wait3A_148 : memref<1x!tpu.dma_semaphore, #tpu.memory_space<semaphore_mem>> -> memref<!tpu.dma_semaphore, #tpu.memory_space<semaphore_mem>>
      tpu.wait_indirect_dma semaphore(%dma_wait3A_149 : memref<!tpu.dma_semaphore, #tpu.memory_space<semaphore_mem>>) src(%dma_wait3A_147 : memref<8192x1024xf32, #tpu.memory_space<hbm>>) dst(%dma_wait3A_143 : memref<32x1024xf32, #tpu.memory_space<vmem>>)
      %mul3A_150 = arith.constant 32 : i32
      %mul3A_151 = arith.muli %add3A_128, %mul3A_150 : i32
      %add3A_152 = arith.addi %mul3A_32, %mul3A_151 : i32
      %dma_start3A_153 = arith.constant 0 : i32
      %dma_start3A_154 = arith.constant 0 : i32
      %dma_start3A_155 = tpu.memref_slice %arg6[%rem3A_137, %dma_start3A_153, %dma_start3A_154] : memref<3x32x1024xf32, #tpu.memory_space<vmem>> -> memref<1x32x1024xf32, #tpu.memory_space<vmem>>
      %dma_start3A_156 = tpu.memref_squeeze %dma_start3A_155 : memref<1x32x1024xf32, #tpu.memory_space<vmem>> -> memref<32x1024xf32, #tpu.memory_space<vmem>>
      %dma_start3A_157 = arith.constant 0 : i32
      %dma_start3A_158 = tpu.memref_slice %arg4[%select_n3A, %add3A_152, %dma_start3A_157] : memref<4x4096x1024xf32, #tpu.memory_space<hbm>> -> memref<1x32x1024xf32, #tpu.memory_space<hbm>>
      %dma_start3A_159 = tpu.memref_squeeze %dma_start3A_158 : memref<1x32x1024xf32, #tpu.memory_space<hbm>> -> memref<32x1024xf32, #tpu.memory_space<hbm>>
      %dma_start3A_160 = tpu.memref_slice %arg8[%rem3A_137] : memref<3x!tpu.dma_semaphore, #tpu.memory_space<semaphore_mem>> -> memref<1x!tpu.dma_semaphore, #tpu.memory_space<semaphore_mem>>
      %dma_start3A_161 = tpu.memref_squeeze %dma_start3A_160 : memref<1x!tpu.dma_semaphore, #tpu.memory_space<semaphore_mem>> -> memref<!tpu.dma_semaphore, #tpu.memory_space<semaphore_mem>>
      %dma_start3A_162 = arith.constant 0 : i32
      %dma_start3A_163 = tpu.memref_slice %arg4[%select_n3A, %add3A_152, %dma_start3A_162] : memref<4x4096x1024xf32, #tpu.memory_space<hbm>> -> memref<1x32x1024xf32, #tpu.memory_space<hbm>>
      %dma_start3A_164 = tpu.memref_squeeze %dma_start3A_163 : memref<1x32x1024xf32, #tpu.memory_space<hbm>> -> memref<32x1024xf32, #tpu.memory_space<hbm>>
      %dma_start3A_165 = arith.constant 0 : i32
      %dma_start3A_166 = arith.constant 0 : i32
      %dma_start3A_167 = tpu.memref_slice %arg6[%rem3A_137, %dma_start3A_165, %dma_start3A_166] : memref<3x32x1024xf32, #tpu.memory_space<vmem>> -> memref<1x32x1024xf32, #tpu.memory_space<vmem>>
      %dma_start3A_168 = tpu.memref_squeeze %dma_start3A_167 : memref<1x32x1024xf32, #tpu.memory_space<vmem>> -> memref<32x1024xf32, #tpu.memory_space<vmem>>
      tpu.enqueue_dma source(%dma_start3A_168 : memref<32x1024xf32, #tpu.memory_space<vmem>>) target(%dma_start3A_164 : memref<32x1024xf32, #tpu.memory_space<hbm>>) target_semaphore(%dma_start3A_161 : memref<!tpu.dma_semaphore, #tpu.memory_space<semaphore_mem>>)
    }
    %scan3A_64 = arith.constant 16 : i32
    %add3A_65 = arith.constant 0 : i32
    %add3A_66 = arith.addi %mul3A_32, %add3A_65 : i32
    %dma_wait3A = arith.constant 1 : i32
    %dma_wait3A_67 = arith.constant 1 : i32
    %dma_wait3A_68 = arith.constant 0 : i32
    %dma_wait3A_69 = arith.constant 0 : i32
    %dma_wait3A_70 = tpu.memref_slice %arg6[%dma_wait3A, %dma_wait3A_68, %dma_wait3A_69] : memref<3x32x1024xf32, #tpu.memory_space<vmem>> -> memref<1x32x1024xf32, #tpu.memory_space<vmem>>
    %dma_wait3A_71 = tpu.memref_squeeze %dma_wait3A_70 : memref<1x32x1024xf32, #tpu.memory_space<vmem>> -> memref<32x1024xf32, #tpu.memory_space<vmem>>
    %dma_wait3A_72 = arith.constant 0 : i32
    %dma_wait3A_73 = tpu.memref_slice %arg4[%select_n3A, %add3A_66, %dma_wait3A_72] : memref<4x4096x1024xf32, #tpu.memory_space<hbm>> -> memref<1x32x1024xf32, #tpu.memory_space<hbm>>
    %dma_wait3A_74 = tpu.memref_squeeze %dma_wait3A_73 : memref<1x32x1024xf32, #tpu.memory_space<hbm>> -> memref<32x1024xf32, #tpu.memory_space<hbm>>
    %dma_wait3A_75 = tpu.memref_slice %arg8[%dma_wait3A_67] : memref<3x!tpu.dma_semaphore, #tpu.memory_space<semaphore_mem>> -> memref<1x!tpu.dma_semaphore, #tpu.memory_space<semaphore_mem>>
    %dma_wait3A_76 = tpu.memref_squeeze %dma_wait3A_75 : memref<1x!tpu.dma_semaphore, #tpu.memory_space<semaphore_mem>> -> memref<!tpu.dma_semaphore, #tpu.memory_space<semaphore_mem>>
    %dma_wait3A_77 = arith.constant 0 : i32
    %dma_wait3A_78 = tpu.memref_slice %arg4[%select_n3A, %add3A_66, %dma_wait3A_77] : memref<4x4096x1024xf32, #tpu.memory_space<hbm>> -> memref<1x32x1024xf32, #tpu.memory_space<hbm>>
    %dma_wait3A_79 = tpu.memref_squeeze %dma_wait3A_78 : memref<1x32x1024xf32, #tpu.memory_space<hbm>> -> memref<32x1024xf32, #tpu.memory_space<hbm>>
    %dma_wait3A_80 = arith.constant 0 : i32
    %dma_wait3A_81 = arith.constant 0 : i32
    %dma_wait3A_82 = tpu.memref_slice %arg6[%dma_wait3A, %dma_wait3A_80, %dma_wait3A_81] : memref<3x32x1024xf32, #tpu.memory_space<vmem>> -> memref<1x32x1024xf32, #tpu.memory_space<vmem>>
    %dma_wait3A_83 = tpu.memref_squeeze %dma_wait3A_82 : memref<1x32x1024xf32, #tpu.memory_space<vmem>> -> memref<32x1024xf32, #tpu.memory_space<vmem>>
    tpu.wait_dma2 semaphore(%dma_wait3A_76 : memref<!tpu.dma_semaphore, #tpu.memory_space<semaphore_mem>>) src(%dma_wait3A_83 : memref<32x1024xf32, #tpu.memory_space<vmem>>) dst(%dma_wait3A_79 : memref<32x1024xf32, #tpu.memory_space<hbm>>)
    %add3A_84 = arith.constant 0 : i32
    %add3A_85 = arith.addi %mul3A_32, %add3A_84 : i32
    %dma_wait3A_86 = arith.constant 2 : i32
    %dma_wait3A_87 = arith.constant 2 : i32
    %dma_wait3A_88 = arith.constant 0 : i32
    %dma_wait3A_89 = arith.constant 0 : i32
    %dma_wait3A_90 = tpu.memref_slice %arg6[%dma_wait3A_86, %dma_wait3A_88, %dma_wait3A_89] : memref<3x32x1024xf32, #tpu.memory_space<vmem>> -> memref<1x32x1024xf32, #tpu.memory_space<vmem>>
    %dma_wait3A_91 = tpu.memref_squeeze %dma_wait3A_90 : memref<1x32x1024xf32, #tpu.memory_space<vmem>> -> memref<32x1024xf32, #tpu.memory_space<vmem>>
    %dma_wait3A_92 = arith.constant 0 : i32
    %dma_wait3A_93 = tpu.memref_slice %arg4[%select_n3A, %add3A_85, %dma_wait3A_92] : memref<4x4096x1024xf32, #tpu.memory_space<hbm>> -> memref<1x32x1024xf32, #tpu.memory_space<hbm>>
    %dma_wait3A_94 = tpu.memref_squeeze %dma_wait3A_93 : memref<1x32x1024xf32, #tpu.memory_space<hbm>> -> memref<32x1024xf32, #tpu.memory_space<hbm>>
    %dma_wait3A_95 = tpu.memref_slice %arg8[%dma_wait3A_87] : memref<3x!tpu.dma_semaphore, #tpu.memory_space<semaphore_mem>> -> memref<1x!tpu.dma_semaphore, #tpu.memory_space<semaphore_mem>>
    %dma_wait3A_96 = tpu.memref_squeeze %dma_wait3A_95 : memref<1x!tpu.dma_semaphore, #tpu.memory_space<semaphore_mem>> -> memref<!tpu.dma_semaphore, #tpu.memory_space<semaphore_mem>>
    %dma_wait3A_97 = arith.constant 0 : i32
    %dma_wait3A_98 = tpu.memref_slice %arg4[%select_n3A, %add3A_85, %dma_wait3A_97] : memref<4x4096x1024xf32, #tpu.memory_space<hbm>> -> memref<1x32x1024xf32, #tpu.memory_space<hbm>>
    %dma_wait3A_99 = tpu.memref_squeeze %dma_wait3A_98 : memref<1x32x1024xf32, #tpu.memory_space<hbm>> -> memref<32x1024xf32, #tpu.memory_space<hbm>>
    %dma_wait3A_100 = arith.constant 0 : i32
    %dma_wait3A_101 = arith.constant 0 : i32
    %dma_wait3A_102 = tpu.memref_slice %arg6[%dma_wait3A_86, %dma_wait3A_100, %dma_wait3A_101] : memref<3x32x1024xf32, #tpu.memory_space<vmem>> -> memref<1x32x1024xf32, #tpu.memory_space<vmem>>
    %dma_wait3A_103 = tpu.memref_squeeze %dma_wait3A_102 : memref<1x32x1024xf32, #tpu.memory_space<vmem>> -> memref<32x1024xf32, #tpu.memory_space<vmem>>
    tpu.wait_dma2 semaphore(%dma_wait3A_96 : memref<!tpu.dma_semaphore, #tpu.memory_space<semaphore_mem>>) src(%dma_wait3A_103 : memref<32x1024xf32, #tpu.memory_space<vmem>>) dst(%dma_wait3A_99 : memref<32x1024xf32, #tpu.memory_space<hbm>>)
    %add3A_104 = arith.constant 0 : i32
    %add3A_105 = arith.addi %mul3A_32, %add3A_104 : i32
    %dma_wait3A_106 = arith.constant 0 : i32
    %dma_wait3A_107 = arith.constant 0 : i32
    %dma_wait3A_108 = arith.constant 0 : i32
    %dma_wait3A_109 = arith.constant 0 : i32
    %dma_wait3A_110 = tpu.memref_slice %arg6[%dma_wait3A_106, %dma_wait3A_108, %dma_wait3A_109] : memref<3x32x1024xf32, #tpu.memory_space<vmem>> -> memref<1x32x1024xf32, #tpu.memory_space<vmem>>
    %dma_wait3A_111 = tpu.memref_squeeze %dma_wait3A_110 : memref<1x32x1024xf32, #tpu.memory_space<vmem>> -> memref<32x1024xf32, #tpu.memory_space<vmem>>
    %dma_wait3A_112 = arith.constant 0 : i32
    %dma_wait3A_113 = tpu.memref_slice %arg4[%select_n3A, %add3A_105, %dma_wait3A_112] : memref<4x4096x1024xf32, #tpu.memory_space<hbm>> -> memref<1x32x1024xf32, #tpu.memory_space<hbm>>
    %dma_wait3A_114 = tpu.memref_squeeze %dma_wait3A_113 : memref<1x32x1024xf32, #tpu.memory_space<hbm>> -> memref<32x1024xf32, #tpu.memory_space<hbm>>
    %dma_wait3A_115 = tpu.memref_slice %arg8[%dma_wait3A_107] : memref<3x!tpu.dma_semaphore, #tpu.memory_space<semaphore_mem>> -> memref<1x!tpu.dma_semaphore, #tpu.memory_space<semaphore_mem>>
    %dma_wait3A_116 = tpu.memref_squeeze %dma_wait3A_115 : memref<1x!tpu.dma_semaphore, #tpu.memory_space<semaphore_mem>> -> memref<!tpu.dma_semaphore, #tpu.memory_space<semaphore_mem>>
    %dma_wait3A_117 = arith.constant 0 : i32
    %dma_wait3A_118 = tpu.memref_slice %arg4[%select_n3A, %add3A_105, %dma_wait3A_117] : memref<4x4096x1024xf32, #tpu.memory_space<hbm>> -> memref<1x32x1024xf32, #tpu.memory_space<hbm>>
    %dma_wait3A_119 = tpu.memref_squeeze %dma_wait3A_118 : memref<1x32x1024xf32, #tpu.memory_space<hbm>> -> memref<32x1024xf32, #tpu.memory_space<hbm>>
    %dma_wait3A_120 = arith.constant 0 : i32
    %dma_wait3A_121 = arith.constant 0 : i32
    %dma_wait3A_122 = tpu.memref_slice %arg6[%dma_wait3A_106, %dma_wait3A_120, %dma_wait3A_121] : memref<3x32x1024xf32, #tpu.memory_space<vmem>> -> memref<1x32x1024xf32, #tpu.memory_space<vmem>>
    %dma_wait3A_123 = tpu.memref_squeeze %dma_wait3A_122 : memref<1x32x1024xf32, #tpu.memory_space<vmem>> -> memref<32x1024xf32, #tpu.memory_space<vmem>>
    tpu.wait_dma2 semaphore(%dma_wait3A_116 : memref<!tpu.dma_semaphore, #tpu.memory_space<semaphore_mem>>) src(%dma_wait3A_123 : memref<32x1024xf32, #tpu.memory_space<vmem>>) dst(%dma_wait3A_119 : memref<32x1024xf32, #tpu.memory_space<hbm>>)
    return
  }
}

</mosaic_0001>

<sc_bundles>
// kernel: kernel.3.cloned.1.call-start
scs
__scs_entry_jumppad:
0x0: {  	(pc) =	sbr.rel $0x88, $3  }
0x1: {  	(tag) =	ssettag $0x0;
	lr =	simm.s32 $0x1  }
0x2: {  	[smem:$0x3F9F] =	sst lr;
	_ =	strace $0xD0000000  }
0x3: {  	_ = 	snop  }
0x4: {  	_ = 	snop  }
0x5: {  	_ = 	snop  }
0x6: {  	_ = 	snop  }
0x7: {  	_ = 	snop  }
__scs_overlays_trampoline_lowered:
0x8: {  	[smem:$0x3FAE] =	sst s0  }
0x9: {  	[smem:$0x3FAF] =	sst s1  }
0xa: {  	[smem:$0x3FB0] =	sst s2  }
0xb: {  	[smem:$0x3FB1] =	sst s3  }
0xc: {  	[smem:$0x3FB2] =	sst s4  }
0xd: {  	[smem:$0x3FB3] =	sst s5  }
0xe: {  	[smem:$0x3FB4] =	sst s6  }
0xf: {  	[smem:$0x3FB5] =	sst s7  }
0x10: {  	[smem:$0x3FB6] =	sst s8  }
0x11: {  	[smem:$0x3FB7] =	sst s9;
	s0 =	simm.s32 @!p0 $0x0  }
0x12: {  	s1 =	sld [smem:$0x3F9D];
	s0 =	simm.s32 @p0 $0x1  }
0x13: {  	[smem:$0x3FB8] =	sst s0;
	s0 =	simm.s32 @!p1 $0x0  }
0x14: {  	s2 =	sld [smem:$0x3F9C];
	s0 =	simm.s32 @p1 $0x1  }
0x15: {  	[smem:$0x3FB9] =	sst s0;
	s0 =	simm.s32 @!p2 $0x0  }
0x16: {  	s3 =	sld [smem:$0x3FDB];
	s0 =	simm.s32 @p2 $0x1  }
0x17: {  	s4 =	simm.s32 $0x1BF5;
	[smem:$0x3FBB] =	sst s0  }
0x18: {  	s0 =	sld [smem:$0x3F9E];
	_ =	swait.ge [sflag:s4], $0x0  }
0x19: {  	s7 =	sld [smem:$0x3F9F]  }
0x1a: {  	s8 =	sadd.s32 $0xFFFFE003, lr  }
0x1b: {  	s9 =	sadd.s32 $0xFFFFFEF7, lr;
	s5 =	simm.s32 $0xFFFFFFFF;
	p2 =	slt.u32 s8, $0xFFFFF086  }
0x1c: {  	p1 =	slt.u32 s9, $0xF7A;
	s5 =	simm.s32 @!p2 $0x0  }
0x1d: {  	s5 =	simm.s32 @p1 $0x1;
	p0 =	seq.s32 s7, s2  }
0x1e: {  	s7 =	smul.u32 @!p0 $0xF7A, s2;
	p2 =	seq.s32 @!p0 s5, $0x0  }
0x1f: {  	s9 =	smul.u32 $0xF7A, s1;
	s8 =	simm.s32 @!p0 $0x1BF5;
	p2 =	por !p2, p0  }
0x20: {  	[sflag:s8] =	ssyncset.s32 @!p0 $0xFFFFF086;
	s6 =	sadd.s32 @!p0 s3, s7;
	s7 =	simm.s32 @!p0 $0x108  }
0x21: {  	s3 =	sadd.s32 s3, s9;
	s6 =	sadd.s32 @!p0 $0x88, s6;
	s7 =	simm.s32 @p2 $0x1082  }
0x22: {  	[simem:s7], [sflag:s8] =	dma.local @!p0 [hbm:s6], $0xF7A  }
0x23: {  	s9 =	sor.u32 $0xD0000000, s2;
	s6 =	simm.s32 $0x108;
	_ =	swait.ge @!p0 [sflag:s8], $0x0  }
0x24: {  	s3 =	sadd.s32 $0x88, s3;
	s6 =	simm.s32 @!p1 $0x1082;
	[sflag:s4] =	ssyncset.s32 $0xFFFFF086  }
0x25: {  	[simem:s6], [sflag:s4] =	dma.local [hbm:s3], $0xF7A  }
0x26: {  	[smem:$0x3F9F] =	sst s1;
	(tag) =	ssettag s2;
	_ =	strace s9  }
0x27: {  	s1 =	sld [smem:$0x3FAF]  }
0x28: {  	s2 =	sld [smem:$0x3FB0]  }
0x29: {  	s4 =	sld [smem:$0x3FB2]  }
0x2a: {  	p0 =	seq.s32 s5, $0x0;
	s5 =	sld [smem:$0x3FB3]  }
0x2b: {  	s6 =	sld [smem:$0x3FB4]  }
0x2c: {  	s7 =	sld [smem:$0x3FB5]  }
0x2d: {  	s3 =	simm.s32 $0x108;
	s8 =	sld [smem:$0x3FB6]  }
0x2e: {  	s3 =	simm.s32 @!p0 $0x1082;
	s9 =	sld [smem:$0x3FB7]  }
0x2f: {  	lr =	sadd.s32 s0, s3;
	s0 =	sld [smem:$0x3FAE]  }
0x30: {  	s3 =	sld [smem:$0x3FB1]  }
0x31: {  	[smem:$0x3FBA] =	sst s10  }
0x32: {  	s10 =	sld [smem:$0x3FB8];
	_ =	sdelay $0x3  }
0x33: {  	p0 =	seq.s32 s10, $0x1;
	s10 =	sld [smem:$0x3FBA];
	_ =	sdelay $0x3  }
0x34: {  	[smem:$0x3FBA] =	sst s10  }
0x35: {  	s10 =	sld [smem:$0x3FB9];
	_ =	sdelay $0x3  }
0x36: {  	p1 =	seq.s32 s10, $0x1;
	s10 =	sld [smem:$0x3FBA];
	_ =	sdelay $0x3  }
0x37: {  	[smem:$0x3FBA] =	sst s10  }
0x38: {  	s10 =	sld [smem:$0x3FBB]  }
0x39: {  	_ = 	snop;
	(pc) =	sbr.ind lr, $3  }
0x3a: {  	_ = 	snop  }
0x3b: {  	_ = 	snop  }
0x3c: {  	p2 =	seq.s32 s10, $0x1;
	s10 =	sld [smem:$0x3FBA]  }
0x3d: {  	_ =	shalt  }
0x3e: {  	_ =	shalt  }
0x3f: {  	_ =	shalt  }
0x40: {  	_ =	shalt  }
0x41: {  	_ =	shalt  }
0x42: {  	_ =	shalt  }
0x43: {  	_ =	shalt  }
0x44: {  	_ =	shalt  }
0x45: {  	_ =	shalt  }
0x46: {  	_ =	shalt  }
0x47: {  	_ =	shalt  }
0x48: {  	_ =	shalt  }
0x49: {  	_ =	shalt  }
0x4a: {  	_ =	shalt  }
0x4b: {  	_ =	shalt  }
0x4c: {  	_ =	shalt  }
0x4d: {  	_ =	shalt  }
0x4e: {  	_ =	shalt  }
0x4f: {  	_ =	shalt  }
0x50: {  	_ =	shalt  }
0x51: {  	_ =	shalt  }
0x52: {  	_ =	shalt  }
0x53: {  	_ =	shalt  }
0x54: {  	_ =	shalt  }
0x55: {  	_ =	shalt  }
0x56: {  	_ =	shalt  }
0x57: {  	_ =	shalt  }
0x58: {  	_ =	shalt  }
0x59: {  	_ =	shalt  }
0x5a: {  	_ =	shalt  }
0x5b: {  	_ =	shalt  }
0x5c: {  	_ =	shalt  }
0x5d: {  	_ =	shalt  }
0x5e: {  	_ =	shalt  }
0x5f: {  	_ =	shalt  }
0x60: {  	_ =	shalt  }
0x61: {  	_ =	shalt  }
0x62: {  	_ =	shalt  }
0x63: {  	_ =	shalt  }
0x64: {  	_ =	shalt  }
0x65: {  	_ =	shalt  }
0x66: {  	_ =	shalt  }
0x67: {  	_ =	shalt  }
0x68: {  	_ =	shalt  }
0x69: {  	_ =	shalt  }
0x6a: {  	_ =	shalt  }
0x6b: {  	_ =	shalt  }
0x6c: {  	_ =	shalt  }
0x6d: {  	_ =	shalt  }
0x6e: {  	_ =	shalt  }
0x6f: {  	_ =	shalt  }
0x70: {  	_ =	shalt  }
0x71: {  	_ =	shalt  }
0x72: {  	_ =	shalt  }
0x73: {  	_ =	shalt  }
0x74: {  	_ =	shalt  }
0x75: {  	_ =	shalt  }
0x76: {  	_ =	shalt  }
0x77: {  	_ =	shalt  }
0x78: {  	_ =	shalt  }
0x79: {  	_ =	shalt  }
0x7a: {  	_ =	shalt  }
0x7b: {  	_ =	shalt  }
0x7c: {  	_ =	shalt  }
0x7d: {  	_ =	shalt  }
0x7e: {  	_ =	shalt  }
0x7f: {  	_ =	shalt  }
0x80: {  	_ =	shalt  }
0x81: {  	_ =	shalt  }
0x82: {  	_ =	shalt  }
0x83: {  	_ =	shalt  }
0x84: {  	_ =	shalt  }
0x85: {  	_ =	shalt  }
0x86: {  	_ =	shalt  }
0x87: {  	_ =	shalt  }
.Lfunc_end0:
.L_simem_size_0:
called_computation_lowered:
.L_overlay_start_0:
0x88: {  	s2 =	sld [smem:$0x3FD9]  }
0x89: {  	s3 =	sld [smem:$0x3FFE];
	_ =	sdelay $0x1  }
0x8a: {  	s1 =	srdreg.scid  }
0x8b: {  	s0 =	sand.u32 $0x1, s1  }
0x8c: {  	s18 =	sshll.u32 s0, $0xA;
	s2 =	sadd.s32 s3, s2  }
0x8d: {  	s2 =	sadd.s32 s2, s18  }
0x8e: {  	[smem:$0x3FC6] =	sst s2  }
0x8f: {  	_ = 	snop  }
0x90: {  	s2 =	sld [smem:$0x3FC9]  }
0x91: {  	s19 =	sld [smem:$0x3FC8]  }
0x92: {  	s4 =	sld [smem:$0x3FD0];
	(tm) =	ssettm $0x1  }
0x93: {  	s5 =	sld [smem:$0x3FFB];
	_ =	sdelay $0x3  }
0x94: {  	_ =	strace s5  }
0x95: {  	s5 =	sld [smem:$0x3FFC];
	_ =	sdelay $0x3  }
0x96: {  	_ =	strace s5  }
0x97: {  	s5 =	sld [smem:$0x3FFD];
	_ =	sdelay $0x3  }
0x98: {  	_ =	strace s5  }
0x99: {  	_ =	strace $0x8FFFFFFF  }
0x9a: {  	s20 =	sld [smem:$0x3FDB];
	_ =	sdelay $0x1  }
0x9b: {  	s6 =	simm.s32 $_scs_section_size  }
0x9c: {  	s7 =	simm.s32 $_size__tile_overlayer_lowered;
	s8 =	simm.s32 $_tile_overlayer_lowered  }
0x9d: {  	s23 =	simm.s32 $0x1BFF;
	s22 =	sshll.u32 s8, $0x1;
	s5 =	sadd.s32 s6, s20  }
0x9e: {  	s9 =	simm.s32 $0x0;
	s21 =	sshll.u32 s7, $0x1;
	s7 =	sadd.s32 s22, s5  }
0x9f: {  	[timem:s9], [sflag:s23] =	dma.local [hbm:s7], s21  }
0xa0: {  	_ =	swait.ge [sflag:s23], s21  }
0xa1: {  	s6 =	ssub.s32 $0x0, s21;
	[sflag:s23] =	ssyncset.done $0x0  }
0xa2: {  	[sflag:s23] =	ssyncadd.s32 s6;
	_ =	sdelay $0x1  }
0xa3: {  	s24 =	simm.s32 $0x1B8B  }
0xa4: {  	_ =	swait.ge [sflag:s24], $0x1  }
0xa5: {  	[sflag:s24] =	ssyncset.done $0x0  }
0xa6: {  	s25 =	simm.s32 $0x1B8E;
	[sflag:s24] =	ssyncadd.s32 $0xFFFFFFFF  }
0xa7: {  	s26 =	simm.s32 $execute0_lowered;
	[smem:$0x3FD2] =	sst s25  }
0xa8: {  	s6 =	sshll.u32 s26, $0x1;
	_ =	strace $0x80000046;
	[dreg:$0x1] =	wrdreg $0xFFFFFFFF  }
0xa9: {  	s28 =	simm.s32 $_size_execute0_lowered;
	s5 =	sadd.s32 s5, s6;
	[dreg:$0x0] =	wrdreg $0x0  }
0xaa: {  	s6 =	sshll.u32 s28, $0x1;
	[dreg:$0x2] =	wrdreg s5  }
0xab: {  	[dreg:$0x3] =	wrdreg s6  }
0xac: {  	[dreg:$0x4] =	wrdreg $0xC0  }
0xad: {  	_ =	task [dreg:s9], $0x5FFFF  }
0xae: {  	[dreg:$0x1] =	wrdreg $0xFFFFFFFF  }
0xaf: {  	[dreg:$0x0] =	wrdreg $0x60  }
0xb0: {  	[dreg:$0x2] =	wrdreg s19  }
0xb1: {  	[dreg:$0x3] =	wrdreg s2  }
0xb2: {  	[dreg:$0x4] =	wrdreg s4  }
0xb3: {  	[dreg:$0x5] =	wrdreg $0x9  }
0xb4: {  	_ =	task.clear_ibuf [dreg:s9], $0x6FFFF;
	_ =	strace $0x90000046  }
0xb5: {  	s29 =	simm.s32 $0x9;
	_ =	strace $0x80000048  }
0xb6: {  	_ =	swait.ge [sflag:s29], $0x1  }
0xb7: {  	[sflag:s29] =	ssyncadd.s32 $0xFFFFFFFF  }
0xb8: {  	_ =	strace $0x90000048  }
0xb9: {  	_ =	sfence  }
0xba: {  	s30 =	sld [smem:$0x0];
	_ =	sdelay $0x2  }
0xbb: {  	s31 =	sshll.u32 s1, $0xD;
	s1 =	sshrl.u32 s1, $0x2  }
0xbc: {  	s3 =	sand.u32 $0x4000, s31;
	s1 =	sadd.s32 s1, s30  }
0xbd: {  	s0 =	sor.u32 s3, s0;
	s1 =	sshll.u32 s1, $0x11  }
0xbe: {  	s0 =	sor.u32 s1, s0  }
0xbf: {  	s0 =	sadd.s32 $0x8F2B, s0  }
0xc0: {  	[sflag:s0] =	ssyncadd.remote.s32 $0x1  }
0xc1: {  	_ =	sfence.sel $0xFFFF  }
0xc2: {  	[dreg:$0x0] =	wrdreg $0xFFFFFFFF;
	(pc) =	sbr.abs _section_cstart, $3  }
0xc3: {  	[dreg:$0x1] =	wrdreg $0xFFFFFFFF  }
0xc4: {  	_ =	task.clear_ibuf [dreg:s9], $0x2FFFF;
	_ =	strace $0x9FFFFFFF  }
0xc5: {  	(tm) =	ssettm $0x7FFFFFFF  }
tec
execute0_lowered:
.L_overlay_start_1:
0x0: {  	(tag) =	ssettag $0x1  }
0x1: {  	s2 =	rddreg [dreg:$0x0]  }
0x2: {  	s0 =	rddreg [dreg:$0x1]  }
0x3: {  	s1 =	rddreg [dreg:$0x2];
	s3 =	stileid.u32  }
0x4: {  	s6 =	simm.s32 $0x0;
	s4 =	srdreg.scid;
	s5 =	sshll.u32 s3, $0x1  }
0x5: {  	[smem:$0x7FF] =	sst s6;
	s4 =	sand.u32 $0x1, s4;
	s8 =	sshrl.u32 s3, $0x2  }
0x6: {  	s6 =	sadd.s32 $0x200, s2;
	s26 =	sand.u32 $0x3, s3;
	s5 =	sand.u32 $0x6, s5  }
0x7: {  	s24 =	ssub.s32 $0x2, s4;
	s9 =	sshll.u32 s8, $0x4;
	_ =	strace $0x80000047  }
0x8: {  	s25 =	sshll.u32 s8, $0x13;
	s5 =	sor.u32 s4, s5;
	s7 =	sshrl.u32 s24, $0x1  }
0x9: {  	s29 =	sshll.u32 s26, $0x11;
	s5 =	sshll.u32 s5, $0x8;
	s10 =	ssub.s32 s24, s7  }
0xa: {  	s31 =	sshll.u32 s4, $0x10;
	s5 =	sor.u32 s9, s5;
	s30 =	smax.u32 s10, $0x1  }
0xb: {  	s9 =	sadd.s32 s0, s5;
	s0 =	sadd.s32 s25, s1;
	[dreg:$0x6] =	wrdreg s30  }
0xc: {  	v2 =	vlaneseq.u32;
	[dreg:$0x4] =	wrdreg s9;
	s28 =	sadd.s32 $0x40, s9;
	s0 =	sadd.s32 s29, s0  }
0xd: {  	vm0 =	vmmov $0xffff;
	v1 =	vshrl.u32 v2, $0x3;
	s3 =	simm.s32 $0x0;
	[dreg:$0x5] =	wrdreg s28;
	s0 =	sadd.s32 s31, s0  }
0xe: {  	v0 =	vand.u32 $0x7, v2;
	v2 =	vor.u32 $0x8, v2;
	v1 =	vmul.u32 $0x8, v1;
	s7 =	sadd.s32 $0x300, s2;
	s5 =	sadd.s32 $0x100, s2;
	[dreg:$0x7] =	wrdreg s0  }
.LBB2_1:
0xf: {  	[dreg:$0x8] =	wrdreg s3  }
0x10: {  	s3 =	simm.s32 $0x0;
	s0 =	rddreg [dreg:$0x4];
	s4 =	simm.s32 $0x7  }
0x11: {  	[tilespmem:s3], [sflag:$0x7] =	stream.linear.gather [hbm4b:s0+s3], $0x80, $0x38;
	[tilespmem:$0x18200] =	vst v63  }
0x12: {  	_ =	swait.ge [sflag:s4], $0x80  }
0x13: {  	[sflag:s4] =	ssyncset.done $0x0  }
0x14: {  	[sflag:s4] =	ssyncadd.s32 $0xFFFFFF80  }
0x15: {  	v3 =	vld [tilespmem:$0x0];
	_ =	sdelay $0x4  }
0x16: {  	v4 =	vshll.u32 v3, $0x3  }
0x17: {  	v3 =	vand.u32 $0x7, v3;
	v4 =	vand.u32 $0xFFFFFFC0, v4  }
0x18: {  	v3 =	vor.u32 v3, v4  }
0x19: {  	v4 =	vperm.xlane v3, v0;
	_ =	sdelay $0x1  }
0x1a: {  	v4 =	vadd.s32 v1, v4;
	_ =	sdelay $0x3  }
0x1b: {  	s8 =	simm.s32 $0x200  }
0x1c: {  	[tilespmem:s8], [sflag:$0x1] =	stream.indirect_vreg.gather [hbm4b:s2+s3], $0x80, v4, vm0, $0xb8;
	[tilespmem:$0x18200] =	vst v63  }
0x1d: {  	s17 =	simm.s32 $0xA00;
	v3 =	vperm.xlane v3, v2  }
0x1e: {  	[tilespmem:s17], [sflag:$0x1] =	stream.indirect_vreg.gather [hbm4b:s5+s3], $0x80, v4, vm0, $0xb8;
	[tilespmem:$0x18200] =	vst v63  }
0x1f: {  	s18 =	simm.s32 $0x1200;
	v3 =	vadd.s32 v1, v3  }
0x20: {  	[tilespmem:s18], [sflag:$0x1] =	stream.indirect_vreg.gather [hbm4b:s6+s3], $0x80, v4, vm0, $0xb8;
	[tilespmem:$0x18200] =	vst v63  }
0x21: {  	s19 =	simm.s32 $0x1A00  }
0x22: {  	[tilespmem:s19], [sflag:$0x1] =	stream.indirect_vreg.gather [hbm4b:s7+s3], $0x80, v4, vm0, $0xb8;
	[tilespmem:$0x18200] =	vst v63  }
0x23: {  	s20 =	simm.s32 $0x2200  }
0x24: {  	[tilespmem:s20], [sflag:$0x1] =	stream.indirect_vreg.gather [hbm4b:s2+s3], $0x80, v3, vm0, $0xb8;
	[tilespmem:$0x18200] =	vst v63  }
0x25: {  	s21 =	simm.s32 $0x2A00  }
0x26: {  	[tilespmem:s21], [sflag:$0x1] =	stream.indirect_vreg.gather [hbm4b:s5+s3], $0x80, v3, vm0, $0xb8;
	[tilespmem:$0x18200] =	vst v63  }
0x27: {  	s22 =	simm.s32 $0x3200  }
0x28: {  	[tilespmem:s22], [sflag:$0x1] =	stream.indirect_vreg.gather [hbm4b:s6+s3], $0x80, v3, vm0, $0xb8;
	[tilespmem:$0x18200] =	vst v63  }
0x29: {  	s23 =	simm.s32 $0x3A00  }
0x2a: {  	[tilespmem:s23], [sflag:$0x1] =	stream.indirect_vreg.gather [hbm4b:s7+s3], $0x80, v3, vm0, $0xb8;
	[tilespmem:$0x18200] =	vst v63  }
0x2b: {  	v3 =	vld [tilespmem:$0x10];
	_ =	sdelay $0x4  }
0x2c: {  	v4 =	vshll.u32 v3, $0x3  }
0x2d: {  	v3 =	vand.u32 $0x7, v3;
	v4 =	vand.u32 $0xFFFFFFC0, v4  }
0x2e: {  	v3 =	vor.u32 v3, v4  }
0x2f: {  	v4 =	vperm.xlane v3, v0;
	_ =	sdelay $0x1  }
0x30: {  	v4 =	vadd.s32 v1, v4;
	_ =	sdelay $0x3  }
0x31: {  	s24 =	simm.s32 $0x4200  }
0x32: {  	[tilespmem:s24], [sflag:$0x1] =	stream.indirect_vreg.gather [hbm4b:s2+s3], $0x80, v4, vm0, $0xb8;
	[tilespmem:$0x18200] =	vst v63  }
0x33: {  	s25 =	simm.s32 $0x4A00;
	v3 =	vperm.xlane v3, v2  }
0x34: {  	[tilespmem:s25], [sflag:$0x1] =	stream.indirect_vreg.gather [hbm4b:s5+s3], $0x80, v4, vm0, $0xb8;
	[tilespmem:$0x18200] =	vst v63  }
0x35: {  	s26 =	simm.s32 $0x5200;
	v3 =	vadd.s32 v1, v3  }
0x36: {  	[tilespmem:s26], [sflag:$0x1] =	stream.indirect_vreg.gather [hbm4b:s6+s3], $0x80, v4, vm0, $0xb8;
	[tilespmem:$0x18200] =	vst v63  }
0x37: {  	s28 =	simm.s32 $0x5A00  }
0x38: {  	[tilespmem:s28], [sflag:$0x1] =	stream.indirect_vreg.gather [hbm4b:s7+s3], $0x80, v4, vm0, $0xb8;
	[tilespmem:$0x18200] =	vst v63  }
0x39: {  	s29 =	simm.s32 $0x6200  }
0x3a: {  	[tilespmem:s29], [sflag:$0x1] =	stream.indirect_vreg.gather [hbm4b:s2+s3], $0x80, v3, vm0, $0xb8;
	[tilespmem:$0x18200] =	vst v63  }
0x3b: {  	s1 =	simm.s32 $0x6A00  }
0x3c: {  	[tilespmem:s1], [sflag:$0x1] =	stream.indirect_vreg.gather [hbm4b:s5+s3], $0x80, v3, vm0, $0xb8;
	[tilespmem:$0x18200] =	vst v63  }
0x3d: {  	s9 =	simm.s32 $0x7200  }
0x3e: {  	[tilespmem:s9], [sflag:$0x1] =	stream.indirect_vreg.gather [hbm4b:s6+s3], $0x80, v3, vm0, $0xb8;
	[tilespmem:$0x18200] =	vst v63  }
0x3f: {  	s10 =	simm.s32 $0x7A00  }
0x40: {  	[tilespmem:s10], [sflag:$0x1] =	stream.indirect_vreg.gather [hbm4b:s7+s3], $0x80, v3, vm0, $0xb8;
	[tilespmem:$0x18200] =	vst v63  }
0x41: {  	v3 =	vld [tilespmem:$0x20];
	_ =	sdelay $0x4  }
0x42: {  	v4 =	vshll.u32 v3, $0x3  }
0x43: {  	v3 =	vand.u32 $0x7, v3;
	v4 =	vand.u32 $0xFFFFFFC0, v4  }
0x44: {  	v3 =	vor.u32 v3, v4  }
0x45: {  	v4 =	vperm.xlane v3, v0;
	_ =	sdelay $0x1  }
0x46: {  	v4 =	vadd.s32 v1, v4;
	_ =	sdelay $0x3  }
0x47: {  	s11 =	simm.s32 $0x8200  }
0x48: {  	[tilespmem:s11], [sflag:$0x2] =	stream.indirect_vreg.gather [hbm4b:s2+s3], $0x80, v4, vm0, $0xb8;
	[tilespmem:$0x18200] =	vst v63  }
0x49: {  	s12 =	simm.s32 $0x8A00;
	v3 =	vperm.xlane v3, v2  }
0x4a: {  	[tilespmem:s12], [sflag:$0x2] =	stream.indirect_vreg.gather [hbm4b:s5+s3], $0x80, v4, vm0, $0xb8;
	[tilespmem:$0x18200] =	vst v63  }
0x4b: {  	s13 =	simm.s32 $0x9200;
	v3 =	vadd.s32 v1, v3  }
0x4c: {  	[tilespmem:s13], [sflag:$0x2] =	stream.indirect_vreg.gather [hbm4b:s6+s3], $0x80, v4, vm0, $0xb8;
	[tilespmem:$0x18200] =	vst v63  }
0x4d: {  	s14 =	simm.s32 $0x9A00  }
0x4e: {  	[tilespmem:s14], [sflag:$0x2] =	stream.indirect_vreg.gather [hbm4b:s7+s3], $0x80, v4, vm0, $0xb8;
	[tilespmem:$0x18200] =	vst v63  }
0x4f: {  	s15 =	simm.s32 $0xA200  }
0x50: {  	[tilespmem:s15], [sflag:$0x2] =	stream.indirect_vreg.gather [hbm4b:s2+s3], $0x80, v3, vm0, $0xb8;
	[tilespmem:$0x18200] =	vst v63  }
0x51: {  	s16 =	simm.s32 $0xAA00  }
0x52: {  	[tilespmem:s16], [sflag:$0x2] =	stream.indirect_vreg.gather [hbm4b:s5+s3], $0x80, v3, vm0, $0xb8;
	[tilespmem:$0x18200] =	vst v63  }
0x53: {  	s17 =	simm.s32 $0xB200  }
0x54: {  	[tilespmem:s17], [sflag:$0x2] =	stream.indirect_vreg.gather [hbm4b:s6+s3], $0x80, v3, vm0, $0xb8;
	[tilespmem:$0x18200] =	vst v63  }
0x55: {  	s18 =	simm.s32 $0xBA00  }
0x56: {  	[tilespmem:s18], [sflag:$0x2] =	stream.indirect_vreg.gather [hbm4b:s7+s3], $0x80, v3, vm0, $0xb8;
	[tilespmem:$0x18200] =	vst v63  }
0x57: {  	v3 =	vld [tilespmem:$0x30];
	_ =	sdelay $0x4  }
0x58: {  	v4 =	vshll.u32 v3, $0x3  }
0x59: {  	v3 =	vand.u32 $0x7, v3;
	v4 =	vand.u32 $0xFFFFFFC0, v4  }
0x5a: {  	v3 =	vor.u32 v3, v4  }
0x5b: {  	v4 =	vperm.xlane v3, v0;
	_ =	sdelay $0x1  }
0x5c: {  	v4 =	vadd.s32 v1, v4;
	_ =	sdelay $0x3  }
0x5d: {  	s19 =	simm.s32 $0xC200  }
0x5e: {  	[tilespmem:s19], [sflag:$0x2] =	stream.indirect_vreg.gather [hbm4b:s2+s3], $0x80, v4, vm0, $0xb8;
	[tilespmem:$0x18200] =	vst v63  }
0x5f: {  	s20 =	simm.s32 $0xCA00;
	v3 =	vperm.xlane v3, v2  }
0x60: {  	[tilespmem:s20], [sflag:$0x2] =	stream.indirect_vreg.gather [hbm4b:s5+s3], $0x80, v4, vm0, $0xb8;
	[tilespmem:$0x18200] =	vst v63  }
0x61: {  	s21 =	simm.s32 $0xD200;
	v3 =	vadd.s32 v1, v3  }
0x62: {  	[tilespmem:s21], [sflag:$0x2] =	stream.indirect_vreg.gather [hbm4b:s6+s3], $0x80, v4, vm0, $0xb8;
	[tilespmem:$0x18200] =	vst v63  }
0x63: {  	s22 =	simm.s32 $0xDA00  }
0x64: {  	[tilespmem:s22], [sflag:$0x2] =	stream.indirect_vreg.gather [hbm4b:s7+s3], $0x80, v4, vm0, $0xb8;
	[tilespmem:$0x18200] =	vst v63  }
0x65: {  	s23 =	simm.s32 $0xE200;
	s28 =	simm.s32 $0x2  }
0x66: {  	[tilespmem:s23], [sflag:$0x2] =	stream.indirect_vreg.gather [hbm4b:s2+s3], $0x80, v3, vm0, $0xb8;
	[tilespmem:$0x18200] =	vst v63  }
0x67: {  	p2 =	por $0x0, $0x0;
	s24 =	simm.s32 $0xEA00;
	s0 =	smul.u32 $0xAB, s28  }
0x68: {  	[tilespmem:s24], [sflag:$0x2] =	stream.indirect_vreg.gather [hbm4b:s5+s3], $0x80, v3, vm0, $0xb8;
	[tilespmem:$0x18200] =	vst v63  }
0x69: {  	p1 =	por @!p2 $0x1, $0x1;
	s25 =	simm.s32 $0xF200;
	s0 =	sshrl.u32 s0, $0x9  }
0x6a: {  	[tilespmem:s25], [sflag:$0x2] =	stream.indirect_vreg.gather [hbm4b:s6+s3], $0x80, v3, vm0, $0xb8;
	[tilespmem:$0x18200] =	vst v63  }
0x6b: {  	p0 =	por p2, p2;
	s26 =	simm.s32 $0xFA00;
	s0 =	sand.u32 $0x7F, s0  }
0x6c: {  	[tilespmem:s26], [sflag:$0x2] =	stream.indirect_vreg.gather [hbm4b:s7+s3], $0x80, v3, vm0, $0xb8;
	[tilespmem:$0x18200] =	vst v63  }
0x6d: {  	s1 =	rddreg [dreg:$0x5];
	s0 =	smul.u32 $0x3, s0;
	s9 =	simm.s32 $0x80  }
0x6e: {  	[tilespmem:s9], [sflag:$0x7] =	stream.strided.gather [hbm4b:s1+s9], $0x180, s8, s9, $0x38;
	[tilespmem:$0x18200] =	vst v63  }
0x6f: {  	p1 =	por p1, p1;
	s0 =	ssub.s32 $0x2, s0;
	_ =	swait.ge [sflag:s4], $0x180  }
0x70: {  	p1 =	por p1, p0;
	s0 =	sand.u32 $0xFF, s0;
	[sflag:s4] =	ssyncset.done $0x0  }
0x71: {  	s1 =	sadd.s32 @!p1 $0x4, s0;
	[sflag:s4] =	ssyncadd.s32 $0xFFFFFE80  }
0x72: {  	_ =	swait.ge @!p1 [sflag:s1], $0x8000  }
0x73: {  	[sflag:s1] =	ssyncset.done @!p1 $0x0  }
0x74: {  	s4 =	simm.s32 $0x50;
	[sflag:s1] =	ssyncadd.s32 @!p1 $0xFFFF8000  }
0x75: {  	v3 =	vld @!p0 [tilespmem:s4+$0xFFFFFFF0];
	_ =	sdelay $0x3  }
0x76: {  	p1 =	por p0, p0  }
0x77: {  	v4 =	vshll.u32 @!p1 v3, $0x3  }
0x78: {  	v6 =	vlaneseq.u32 @!p2;
	v3 =	vand.u32 @!p1 $0x7, v3;
	v4 =	vand.u32 @!p1 $0xFFFFFFC0, v4  }
0x79: {  	v5 =	vshrl.u32 @!p2 v6, $0x3;
	v7 =	vand.u32 @!p0 $0x7, v6;
	v3 =	vor.u32 @!p1 v3, v4  }
0x7a: {  	v5 =	vmul.u32 @!p0 $0x8, v5;
	v4 =	vperm.xlane @!p1 v3, v7;
	_ =	sdelay $0x1  }
0x7b: {  	v4 =	vadd.s32 @!p1 v5, v4;
	_ =	sdelay $0x2  }
0x7c: {  	s9 =	sshll.u32 @!p0 s0, $0xF  }
0x7d: {  	vm1 =	vmmov @!p0 $0xffff;
	s13 =	simm.s32 @!p0 $0x0;
	s1 =	sor.u32 @!p0 $0x200, s9;
	s16 =	sadd.s32 @!p1 $0x1, s0  }
0x7e: {  	v6 =	vor.u32 @!p0 $0x8, v6;
	[tilespmem:s1], [sflag:s16] =	stream.indirect_vreg.gather @!p1 [hbm4b:s2+s13], $0x80, v4, vm1, $0xb8;
	[tilespmem:$0x18200] =	vst v63  }
0x7f: {  	s0 =	sor.u32 @!p0 $0xA00, s9;
	v3 =	vperm.xlane @!p1 v3, v6  }
0x80: {  	[tilespmem:s0], [sflag:s16] =	stream.indirect_vreg.gather @!p1 [hbm4b:s5+s13], $0x80, v4, vm1, $0xb8;
	[tilespmem:$0x18200] =	vst v63  }
0x81: {  	v3 =	vadd.s32 @!p1 v5, v3;
	s0 =	sor.u32 @!p0 $0x1200, s9  }
0x82: {  	[tilespmem:s0], [sflag:s16] =	stream.indirect_vreg.gather @!p1 [hbm4b:s6+s13], $0x80, v4, vm1, $0xb8;
	[tilespmem:$0x18200] =	vst v63  }
0x83: {  	s0 =	sor.u32 @!p0 $0x1A00, s9  }
0x84: {  	[tilespmem:s0], [sflag:s16] =	stream.indirect_vreg.gather @!p1 [hbm4b:s7+s13], $0x80, v4, vm1, $0xb8;
	[tilespmem:$0x18200] =	vst v63  }
0x85: {  	s0 =	sor.u32 @!p0 $0x2200, s9  }
0x86: {  	[tilespmem:s0], [sflag:s16] =	stream.indirect_vreg.gather @!p1 [hbm4b:s2+s13], $0x80, v3, vm1, $0xb8;
	[tilespmem:$0x18200] =	vst v63  }
0x87: {  	s0 =	sor.u32 @!p0 $0x2A00, s9  }
0x88: {  	[tilespmem:s0], [sflag:s16] =	stream.indirect_vreg.gather @!p1 [hbm4b:s5+s13], $0x80, v3, vm1, $0xb8;
	[tilespmem:$0x18200] =	vst v63  }
0x89: {  	s0 =	sor.u32 @!p0 $0x3200, s9  }
0x8a: {  	[tilespmem:s0], [sflag:s16] =	stream.indirect_vreg.gather @!p1 [hbm4b:s6+s13], $0x80, v3, vm1, $0xb8;
	[tilespmem:$0x18200] =	vst v63  }
0x8b: {  	s0 =	sor.u32 @!p0 $0x3A00, s9  }
0x8c: {  	[tilespmem:s0], [sflag:s16] =	stream.indirect_vreg.gather @!p1 [hbm4b:s7+s13], $0x80, v3, vm1, $0xb8;
	[tilespmem:$0x18200] =	vst v63  }
0x8d: {  	v3 =	vld @!p1 [tilespmem:s4+$0x0];
	_ =	sdelay $0x4  }
0x8e: {  	v4 =	vshll.u32 @!p1 v3, $0x3  }
0x8f: {  	p3 =	por $0x0, $0x0;
	v3 =	vand.u32 @!p1 $0x7, v3;
	v4 =	vand.u32 @!p1 $0xFFFFFFC0, v4  }
0x90: {  	s30 =	simm.s32 $0x1;
	p2 =	por @!p3 $0x0, $0x0;
	v8 =	vor.u32 @!p1 v3, v4  }
0x91: {  	p2 =	por p2, p2;
	s29 =	smul.u32 $0xAB, s3;
	s14 =	simm.s32 $0x2;
	v9 =	vperm.xlane @!p1 v8, v7  }
0x92: {  	s18 =	simm.s32 $0x0;
	s8 =	sor.u32 @!p0 $0x4200, s9;
	s20 =	sor.u32 @!p0 $0x5A00, s9  }
0x93: {  	s24 =	sor.u32 @!p0 $0x4A00, s9;
	s21 =	sor.u32 @!p0 $0x6200, s9;
	s23 =	sor.u32 @!p0 $0x5200, s9;
	v7 =	vperm.xlane @!p1 v8, v6;
	v6 =	vadd.s32 @!p1 v5, v9  }
0x94: {  	s22 =	sor.u32 @!p0 $0x6A00, s9;
	s19 =	sor.u32 @!p0 $0x7200, s9;
	s17 =	sor.u32 @!p0 $0x7A00, s9  }
0x95: {  	s10 =	rddreg [dreg:$0x7];
	s1 =	simm.s32 $0x3;
	s0 =	sshrl.u32 s29, $0x9  }
0x96: {  	s31 =	sadd.s32 $0x1000, s10;
	s4 =	smul.u32 $0xAB, s1;
	s0 =	sand.u32 $0x7F, s0;
	v3 =	vlaneseq.u32 @!p3  }
0x97: {  	p0 =	por p3, p3;
	s9 =	smul.u32 $0x3, s0;
	s0 =	simm.s32 $0x70;
	v4 =	vshrl.u32 @!p3 v3, $0x3  }
.LBB2_2:
0x98: {  	[tilespmem:s8], [sflag:s16] =	stream.indirect_vreg.gather @!p1 [hbm4b:s2+s13], $0x80, v6, vm1, $0xb8;
	[tilespmem:$0x18200] =	vst v63  }
0x99: {  	s8 =	smov.u32 s14;
	s14 =	sadd.s32 $0x1, s14  }
0x9a: {  	s4 =	sshrl.u32 s4, $0x9;
	p4 =	sgt.u32 s8, $0xD;
	s9 =	ssub.s32 s18, s9  }
0x9b: {  	v8 =	vlaneseq.u32 @!p4;
	[tilespmem:s24], [sflag:s16] =	stream.indirect_vreg.gather @!p1 [hbm4b:s5+s13], $0x80, v6, vm1, $0xb8;
	[tilespmem:$0x18200] =	vst v63  }
0x9c: {  	v5 =	vadd.s32 @!p1 v5, v7;
	s11 =	sadd.s32 $0x2, s8;
	s4 =	sand.u32 $0x7F, s4;
	s9 =	sand.u32 $0xFF, s9;
	v9 =	vshrl.u32 @!p4 v8, $0x3  }
0x9d: {  	[tilespmem:s23], [sflag:s16] =	stream.indirect_vreg.gather @!p1 [hbm4b:s6+s13], $0x80, v6, vm1, $0xb8;
	[tilespmem:$0x18200] =	vst v63  }
0x9e: {  	p5 =	seq.s32 @!p4 s8, $0x0;
	s4 =	smul.u32 $0x3, s4;
	s15 =	sshll.u32 s9, $0xF  }
0x9f: {  	[tilespmem:s20], [sflag:s16] =	stream.indirect_vreg.gather @!p1 [hbm4b:s7+s13], $0x80, v6, vm1, $0xb8;
	[tilespmem:$0x18200] =	vst v63  }
0xa0: {  	p3 =	sne.s32 s14, $0x10;
	s1 =	ssub.s32 s1, s4;
	s20 =	sadd.s32 $0x1, s9  }
0xa1: {  	[tilespmem:s21], [sflag:s16] =	stream.indirect_vreg.gather @!p1 [hbm4b:s2+s13], $0x80, v5, vm1, $0xb8;
	[tilespmem:$0x18200] =	vst v63  }
0xa2: {  	s18 =	smov.u32 s30;
	s30 =	smov.u32 s8;
	s12 =	sand.u32 $0xFF, s1  }
0xa3: {  	s8 =	sor.u32 $0x4, s9;
	s3 =	sshll.u32 @!p0 s12, $0xF;
	s21 =	sor.u32 $0x200, s15  }
0xa4: {  	[tilespmem:s22], [sflag:s16] =	stream.indirect_vreg.gather @!p1 [hbm4b:s5+s13], $0x80, v5, vm1, $0xb8;
	[tilespmem:$0x18200] =	vst v63  }
0xa5: {  	p2 =	por p2, p0;
	s1 =	smov.u32 s11;
	s11 =	sor.u32 @!p0 $0x200, s3  }
0xa6: {  	[tilespmem:s19], [sflag:s16] =	stream.indirect_vreg.gather @!p1 [hbm4b:s6+s13], $0x80, v5, vm1, $0xb8;
	[tilespmem:$0x18200] =	vst v63  }
0xa7: {  	s25 =	sor.u32 @!p0 $0xA00, s3;
	s9 =	sor.u32 @!p0 $0x1200, s3;
	s29 =	sor.u32 @!p0 $0x1A00, s3  }
0xa8: {  	v7 =	vor.u32 @!p0 $0x8, v3;
	v6 =	vand.u32 @!p0 $0x7, v3;
	v3 =	vmov v8;
	[tilespmem:s17], [sflag:s16] =	stream.indirect_vreg.gather @!p1 [hbm4b:s7+s13], $0x80, v5, vm1, $0xb8;
	[tilespmem:$0x18200] =	vst v63  }
0xa9: {  	s26 =	sor.u32 @!p0 $0x2200, s3;
	s4 =	sor.u32 @!p0 $0x3200, s3;
	v5 =	vmul.u32 @!p0 $0x8, v4;
	v4 =	vmov v9;
	_ =	swait.ge [sflag:s20], $0x8000  }
0xaa: {  	s28 =	sor.u32 @!p0 $0x3A00, s3;
	s15 =	sor.u32 @!p0 $0x2A00, s3;
	[sflag:s20] =	ssyncset.done $0x0  }
0xab: {  	s13 =	sadd.s32 @!p2 $0x4, s12;
	s16 =	simm.s32 $0x0;
	[sflag:s20] =	ssyncadd.s32 $0xFFFF8000  }
0xac: {  	[hbm4b:s10+s16] =	stream.linear.scatter [tilespmem:s21], [sflag:s8], $0x8000, $0x38;
	[tilespmem:$0x18200] =	vst v63  }
0xad: {  	s20 =	sor.u32 @!p0 $0x5A00, s3;
	s8 =	sor.u32 @!p0 $0x4200, s3;
	_ =	swait.ge @!p2 [sflag:s13], $0x8000  }
0xae: {  	s24 =	sor.u32 @!p0 $0x4A00, s3;
	s21 =	sor.u32 @!p0 $0x6200, s3;
	[sflag:s13] =	ssyncset.done @!p2 $0x0  }
0xaf: {  	s23 =	sor.u32 @!p0 $0x5200, s3;
	vm1 =	vmmov @!p0 $0xffff;
	[sflag:s13] =	ssyncadd.s32 @!p2 $0xFFFF8000;
	s13 =	simm.s32 @!p0 $0x0  }
0xb0: {  	s22 =	sor.u32 @!p0 $0x6A00, s3;
	s19 =	sor.u32 @!p0 $0x7200, s3;
	s17 =	sor.u32 @!p0 $0x7A00, s3;
	v8 =	vld @!p0 [tilespmem:s0+$0xFFFFFFF0]  }
0xb1: {  	p1 =	por p0, p0;
	s10 =	smov.u32 s31;
	p0 =	por p4, p4  }
0xb2: {  	p2 =	por p5, p5;
	_ =	sdelay $0x2  }
0xb3: {  	v9 =	vand.u32 @!p1 $0x7, v8;
	v8 =	vshll.u32 @!p1 v8, $0x3  }
0xb4: {  	v8 =	vand.u32 @!p1 $0xFFFFFFC0, v8  }
0xb5: {  	v8 =	vor.u32 @!p1 v9, v8  }
0xb6: {  	v9 =	vperm.xlane @!p1 v8, v6;
	v8 =	vperm.xlane @!p1 v8, v7;
	_ =	sdelay $0x1  }
0xb7: {  	v9 =	vadd.s32 @!p1 v5, v9;
	_ =	sdelay $0x3  }
0xb8: {  	s16 =	sadd.s32 @!p1 $0x1, s12  }
0xb9: {  	[tilespmem:s11], [sflag:s16] =	stream.indirect_vreg.gather @!p1 [hbm4b:s2+s13], $0x80, v9, vm1, $0xb8;
	[tilespmem:$0x18200] =	vst v63  }
0xba: {  	_ = 	snop  }
0xbb: {  	[tilespmem:s25], [sflag:s16] =	stream.indirect_vreg.gather @!p1 [hbm4b:s5+s13], $0x80, v9, vm1, $0xb8;
	[tilespmem:$0x18200] =	vst v63  }
0xbc: {  	v8 =	vadd.s32 @!p1 v5, v8  }
0xbd: {  	[tilespmem:s9], [sflag:s16] =	stream.indirect_vreg.gather @!p1 [hbm4b:s6+s13], $0x80, v9, vm1, $0xb8;
	[tilespmem:$0x18200] =	vst v63  }
0xbe: {  	_ = 	snop  }
0xbf: {  	[tilespmem:s29], [sflag:s16] =	stream.indirect_vreg.gather @!p1 [hbm4b:s7+s13], $0x80, v9, vm1, $0xb8;
	[tilespmem:$0x18200] =	vst v63  }
0xc0: {  	_ = 	snop  }
0xc1: {  	[tilespmem:s26], [sflag:s16] =	stream.indirect_vreg.gather @!p1 [hbm4b:s2+s13], $0x80, v8, vm1, $0xb8;
	[tilespmem:$0x18200] =	vst v63  }
0xc2: {  	_ = 	snop  }
0xc3: {  	[tilespmem:s15], [sflag:s16] =	stream.indirect_vreg.gather @!p1 [hbm4b:s5+s13], $0x80, v8, vm1, $0xb8;
	[tilespmem:$0x18200] =	vst v63  }
0xc4: {  	_ = 	snop  }
0xc5: {  	[tilespmem:s4], [sflag:s16] =	stream.indirect_vreg.gather @!p1 [hbm4b:s6+s13], $0x80, v8, vm1, $0xb8;
	[tilespmem:$0x18200] =	vst v63  }
0xc6: {  	_ = 	snop  }
0xc7: {  	[tilespmem:s28], [sflag:s16] =	stream.indirect_vreg.gather @!p1 [hbm4b:s7+s13], $0x80, v8, vm1, $0xb8;
	[tilespmem:$0x18200] =	vst v63  }
0xc8: {  	v8 =	vld @!p1 [tilespmem:s0+$0x0];
	_ =	sdelay $0x4  }
0xc9: {  	v9 =	vand.u32 @!p1 $0x7, v8;
	v8 =	vshll.u32 @!p1 v8, $0x3  }
0xca: {  	v8 =	vand.u32 @!p1 $0xFFFFFFC0, v8  }
0xcb: {  	v8 =	vor.u32 @!p1 v9, v8  }
0xcc: {  	v6 =	vperm.xlane @!p1 v8, v6;
	v7 =	vperm.xlane @!p1 v8, v7  }
0xcd: {  	s3 =	smul.u32 $0xAB, s18  }
.Ltmp0:
0xce: {  	v6 =	vadd.s32 @!p1 v5, v6;
	(pc) =	sbr.rel @p3 .LBB2_2-.Ltmp0, $4  }
0xcf: {  	_ = 	snop  }
0xd0: {  	s3 =	sshrl.u32 s3, $0x9  }
0xd1: {  	s3 =	sand.u32 $0x7F, s3;
	s4 =	smul.u32 $0xAB, s1  }
0xd2: {  	s31 =	sadd.s32 $0x1000, s31;
	s9 =	smul.u32 $0x3, s3;
	s0 =	sadd.s32 $0x20, s0  }
0xd3: {  	_ =	sdelay $0x3  }
0xd4: {  	[tilespmem:s8], [sflag:s16] =	stream.indirect_vreg.gather @!p1 [hbm4b:s2+s13], $0x80, v6, vm1, $0xb8;
	[tilespmem:$0x18200] =	vst v63  }
0xd5: {  	_ = 	snop  }
0xd6: {  	[tilespmem:s24], [sflag:s16] =	stream.indirect_vreg.gather @!p1 [hbm4b:s5+s13], $0x80, v6, vm1, $0xb8;
	[tilespmem:$0x18200] =	vst v63  }
0xd7: {  	v5 =	vadd.s32 @!p1 v5, v7  }
0xd8: {  	[tilespmem:s23], [sflag:s16] =	stream.indirect_vreg.gather @!p1 [hbm4b:s6+s13], $0x80, v6, vm1, $0xb8;
	[tilespmem:$0x18200] =	vst v63  }
0xd9: {  	_ = 	snop  }
0xda: {  	[tilespmem:s20], [sflag:s16] =	stream.indirect_vreg.gather @!p1 [hbm4b:s7+s13], $0x80, v6, vm1, $0xb8;
	[tilespmem:$0x18200] =	vst v63  }
0xdb: {  	s4 =	sshrl.u32 s4, $0x9  }
0xdc: {  	[tilespmem:s21], [sflag:s16] =	stream.indirect_vreg.gather @!p1 [hbm4b:s2+s13], $0x80, v5, vm1, $0xb8;
	[tilespmem:$0x18200] =	vst v63  }
0xdd: {  	s3 =	ssub.s32 s18, s9;
	s4 =	sand.u32 $0x7F, s4  }
0xde: {  	[tilespmem:s22], [sflag:s16] =	stream.indirect_vreg.gather @!p1 [hbm4b:s5+s13], $0x80, v5, vm1, $0xb8;
	[tilespmem:$0x18200] =	vst v63  }
0xdf: {  	s3 =	sand.u32 $0xFF, s3;
	s4 =	smul.u32 $0x3, s4  }
0xe0: {  	[tilespmem:s19], [sflag:s16] =	stream.indirect_vreg.gather @!p1 [hbm4b:s6+s13], $0x80, v5, vm1, $0xb8;
	[tilespmem:$0x18200] =	vst v63  }
0xe1: {  	s18 =	sadd.s32 $0x1, s3;
	s1 =	ssub.s32 s1, s4  }
0xe2: {  	[tilespmem:s17], [sflag:s16] =	stream.indirect_vreg.gather @!p1 [hbm4b:s7+s13], $0x80, v5, vm1, $0xb8;
	[tilespmem:$0x18200] =	vst v63  }
0xe3: {  	s1 =	sand.u32 $0xFF, s1;
	s20 =	simm.s32 $0x0;
	_ =	swait.ge [sflag:s18], $0x8000  }
0xe4: {  	s19 =	sshll.u32 s3, $0xF;
	s3 =	sor.u32 $0x4, s3;
	[sflag:s18] =	ssyncset.done $0x0  }
0xe5: {  	s4 =	sor.u32 $0x200, s19;
	p1 =	por p2, p0;
	[sflag:s18] =	ssyncadd.s32 $0xFFFF8000  }
0xe6: {  	[hbm4b:s10+s20] =	stream.linear.scatter [tilespmem:s4], [sflag:s3], $0x8000, $0x38;
	[tilespmem:$0x18200] =	vst v63  }
0xe7: {  	s3 =	sadd.s32 @!p1 $0x4, s1  }
0xe8: {  	_ =	swait.ge @!p1 [sflag:s3], $0x8000  }
0xe9: {  	[sflag:s3] =	ssyncset.done @!p1 $0x0  }
0xea: {  	[sflag:s3] =	ssyncadd.s32 @!p1 $0xFFFF8000  }
0xeb: {  	v5 =	vld @!p0 [tilespmem:s0+$0xFFFFFFF0];
	_ =	sdelay $0x3  }
0xec: {  	p1 =	por p0, p0  }
0xed: {  	v6 =	vshll.u32 @!p1 v5, $0x3  }
0xee: {  	v5 =	vand.u32 @!p1 $0x7, v5;
	v6 =	vand.u32 @!p1 $0xFFFFFFC0, v6  }
0xef: {  	v7 =	vand.u32 @!p0 $0x7, v3;
	v5 =	vor.u32 @!p1 v5, v6  }
0xf0: {  	v4 =	vmul.u32 @!p0 $0x8, v4;
	v6 =	vperm.xlane @!p1 v5, v7;
	_ =	sdelay $0x1  }
0xf1: {  	v6 =	vadd.s32 @!p1 v4, v6;
	_ =	sdelay $0x2  }
0xf2: {  	s3 =	sshll.u32 @!p0 s1, $0xF  }
0xf3: {  	s8 =	simm.s32 @!p0 $0x0;
	vm1 =	vmmov @!p0 $0xffff;
	s4 =	sor.u32 @!p0 $0x200, s3;
	s1 =	sadd.s32 @!p1 $0x1, s1  }
0xf4: {  	v3 =	vor.u32 @!p0 $0x8, v3;
	[tilespmem:s4], [sflag:s1] =	stream.indirect_vreg.gather @!p1 [hbm4b:s2+s8], $0x80, v6, vm1, $0xb8;
	[tilespmem:$0x18200] =	vst v63  }
0xf5: {  	v5 =	vperm.xlane @!p1 v5, v3;
	s4 =	sor.u32 @!p0 $0xA00, s3  }
0xf6: {  	[tilespmem:s4], [sflag:s1] =	stream.indirect_vreg.gather @!p1 [hbm4b:s5+s8], $0x80, v6, vm1, $0xb8;
	[tilespmem:$0x18200] =	vst v63  }
0xf7: {  	v5 =	vadd.s32 @!p1 v4, v5;
	s4 =	sor.u32 @!p0 $0x1200, s3  }
0xf8: {  	[tilespmem:s4], [sflag:s1] =	stream.indirect_vreg.gather @!p1 [hbm4b:s6+s8], $0x80, v6, vm1, $0xb8;
	[tilespmem:$0x18200] =	vst v63  }
0xf9: {  	s4 =	sor.u32 @!p0 $0x1A00, s3  }
0xfa: {  	[tilespmem:s4], [sflag:s1] =	stream.indirect_vreg.gather @!p1 [hbm4b:s7+s8], $0x80, v6, vm1, $0xb8;
	[tilespmem:$0x18200] =	vst v63  }
0xfb: {  	s4 =	sor.u32 @!p0 $0x2200, s3  }
0xfc: {  	[tilespmem:s4], [sflag:s1] =	stream.indirect_vreg.gather @!p1 [hbm4b:s2+s8], $0x80, v5, vm1, $0xb8;
	[tilespmem:$0x18200] =	vst v63  }
0xfd: {  	s4 =	sor.u32 @!p0 $0x2A00, s3  }
0xfe: {  	[tilespmem:s4], [sflag:s1] =	stream.indirect_vreg.gather @!p1 [hbm4b:s5+s8], $0x80, v5, vm1, $0xb8;
	[tilespmem:$0x18200] =	vst v63  }
0xff: {  	s4 =	sor.u32 @!p0 $0x3200, s3  }
0x100: {  	[tilespmem:s4], [sflag:s1] =	stream.indirect_vreg.gather @!p1 [hbm4b:s6+s8], $0x80, v5, vm1, $0xb8;
	[tilespmem:$0x18200] =	vst v63  }
0x101: {  	s4 =	sor.u32 @!p0 $0x3A00, s3  }
0x102: {  	[tilespmem:s4], [sflag:s1] =	stream.indirect_vreg.gather @!p1 [hbm4b:s7+s8], $0x80, v5, vm1, $0xb8;
	[tilespmem:$0x18200] =	vst v63  }
0x103: {  	v5 =	vld @!p1 [tilespmem:s0+$0x0];
	_ =	sdelay $0x4  }
0x104: {  	v6 =	vshll.u32 @!p1 v5, $0x3  }
0x105: {  	v5 =	vand.u32 @!p1 $0x7, v5;
	v6 =	vand.u32 @!p1 $0xFFFFFFC0, v6  }
0x106: {  	v5 =	vor.u32 @!p1 v5, v6  }
0x107: {  	v6 =	vperm.xlane @!p1 v5, v7;
	_ =	sdelay $0x1  }
0x108: {  	v6 =	vadd.s32 @!p1 v4, v6;
	_ =	sdelay $0x3  }
0x109: {  	s0 =	sor.u32 @!p0 $0x4200, s3  }
0x10a: {  	[tilespmem:s0], [sflag:s1] =	stream.indirect_vreg.gather @!p1 [hbm4b:s2+s8], $0x80, v6, vm1, $0xb8;
	[tilespmem:$0x18200] =	vst v63  }
0x10b: {  	v3 =	vperm.xlane @!p1 v5, v3;
	s0 =	sor.u32 @!p0 $0x4A00, s3  }
0x10c: {  	[tilespmem:s0], [sflag:s1] =	stream.indirect_vreg.gather @!p1 [hbm4b:s5+s8], $0x80, v6, vm1, $0xb8;
	[tilespmem:$0x18200] =	vst v63  }
0x10d: {  	v3 =	vadd.s32 @!p1 v4, v3;
	s0 =	sor.u32 @!p0 $0x5200, s3  }
0x10e: {  	[tilespmem:s0], [sflag:s1] =	stream.indirect_vreg.gather @!p1 [hbm4b:s6+s8], $0x80, v6, vm1, $0xb8;
	[tilespmem:$0x18200] =	vst v63  }
0x10f: {  	s0 =	sor.u32 @!p0 $0x5A00, s3  }
0x110: {  	[tilespmem:s0], [sflag:s1] =	stream.indirect_vreg.gather @!p1 [hbm4b:s7+s8], $0x80, v6, vm1, $0xb8;
	[tilespmem:$0x18200] =	vst v63  }
0x111: {  	s0 =	sor.u32 @!p0 $0x6200, s3  }
0x112: {  	[tilespmem:s0], [sflag:s1] =	stream.indirect_vreg.gather @!p1 [hbm4b:s2+s8], $0x80, v3, vm1, $0xb8;
	[tilespmem:$0x18200] =	vst v63  }
0x113: {  	s21 =	smul.u32 $0xAB, s30;
	s0 =	sor.u32 @!p0 $0x6A00, s3  }
0x114: {  	[tilespmem:s0], [sflag:s1] =	stream.indirect_vreg.gather @!p1 [hbm4b:s5+s8], $0x80, v3, vm1, $0xb8;
	[tilespmem:$0x18200] =	vst v63  }
0x115: {  	s22 =	sshrl.u32 s21, $0x9;
	s0 =	sor.u32 @!p0 $0x7200, s3  }
0x116: {  	[tilespmem:s0], [sflag:s1] =	stream.indirect_vreg.gather @!p1 [hbm4b:s6+s8], $0x80, v3, vm1, $0xb8;
	[tilespmem:$0x18200] =	vst v63  }
0x117: {  	s0 =	sand.u32 $0x7F, s22  }
0x118: {  	s3 =	sor.u32 @!p0 $0x7A00, s3;
	s0 =	smul.u32 $0x3, s0  }
0x119: {  	[tilespmem:s3], [sflag:s1] =	stream.indirect_vreg.gather @!p1 [hbm4b:s7+s8], $0x80, v3, vm1, $0xb8;
	[tilespmem:$0x18200] =	vst v63  }
0x11a: {  	s0 =	ssub.s32 s30, s0  }
0x11b: {  	s0 =	sand.u32 $0xFF, s0  }
0x11c: {  	s23 =	sadd.s32 $0x1, s0  }
0x11d: {  	_ =	swait.ge [sflag:s23], $0x8000  }
0x11e: {  	s26 =	simm.s32 $0x5;
	s24 =	sshll.u32 s0, $0xF;
	[sflag:s23] =	ssyncset.done $0x0  }
0x11f: {  	s0 =	sor.u32 $0x4, s0;
	s25 =	sor.u32 $0x200, s24;
	[sflag:s23] =	ssyncadd.s32 $0xFFFF8000  }
0x120: {  	[hbm4b:s31+s20] =	stream.linear.scatter [tilespmem:s25], [sflag:s0], $0x8000, $0x38;
	[tilespmem:$0x18200] =	vst v63  }
0x121: {  	_ =	swait.ge [sflag:s26], $0x8000  }
0x122: {  	[sflag:s26] =	ssyncset.done $0x0  }
0x123: {  	s28 =	simm.s32 $0x6;
	[sflag:s26] =	ssyncadd.s32 $0xFFFF8000  }
0x124: {  	_ =	swait.ge [sflag:s28], $0x8000  }
0x125: {  	[sflag:s28] =	ssyncset.done $0x0  }
0x126: {  	s29 =	simm.s32 $0x4;
	[sflag:s28] =	ssyncadd.s32 $0xFFFF8000  }
0x127: {  	_ =	swait.ge [sflag:s29], $0x8000  }
0x128: {  	s30 =	rddreg [dreg:$0x8]  }
0x129: {  	s31 =	rddreg [dreg:$0x6];
	s3 =	sadd.s32 $0x1, s30  }
0x12a: {  	p0 =	sne.s32 s3, s31  }
.Ltmp1:
0x12b: {  	_ = 	snop;
	(pc) =	sbr.rel @p0 .LBB2_1-.Ltmp1, $3  }
0x12c: {  	_ =	sdelay $0x1  }
0x12d: {  	[sflag:s29] =	ssyncset.done $0x0  }
0x12e: {  	[sflag:s29] =	ssyncadd.s32 $0xFFFF8000  }
0x12f: {  	_ =	sfence.sel $0x180000  }
0x130: {  	[bflag:$0x0] =	sbarrier.arrive $0xFFFF  }
0x131: {  	_ =	strace $0x90000047  }
0x132: {  	s0 =	stileid.u32;
	[bflag:$0x2] =	sbarrier.arrive $0xFFFF  }
0x133: {  	p0 =	sne.s32 s0, $0x0;
	s0 =	rddreg [dreg:$0x3]  }
0x134: {  	s0 =	sadd.s32 @!p0 $0x100000, s0  }
0x135: {  	[sflag:s0] =	ssyncadd.tile.s32 @!p0 $0x1;
	_ =	shalt  }
.Lfunc_end2:
_tile_overlayer_lowered:
.L_overlay_start_2:
0x136: {  	(tag) =	ssettag $0x2  }
0x137: {  	s0 =	rddreg [dreg:$0x0];
	s2 =	stileid.u32  }
0x138: {  	s1 =	rddreg [dreg:$0x1];
	p0 =	sne.s32 s2, $0x0  }
0x139: {  	s3 =	rddreg [dreg:$0x2];
	[bflag:$0x3] =	sbarrier.arrive $0xFFFF;
	s2 =	simm.s32 @!p0 $0x1C07  }
0x13a: {  	[timem:s3], [sflag:s2] =	dma.local @!p0 [hbm:s0], s1  }
0x13b: {  	s0 =	simm.s32 @!p0 $0x7  }
0x13c: {  	_ =	swait.ge @!p0 [sflag:s0], s1  }
0x13d: {  	s1 =	ssub.s32 @!p0 $0x0, s1;
	[sflag:s0] =	ssyncset.done @!p0 $0x0  }
0x13e: {  	[sflag:s0] =	ssyncadd.s32 @!p0 s1  }
0x13f: {  	[bflag:$0x3] =	sbarrier.arrive $0xFFFF  }
0x140: {  	_ =	shalt  }

</sc_bundles>
